<compile_context>
chip_gen: v7x
topology: tpu7x:2x2x1
jax: 0.10.2.dev20260603
libtpu: 0.0.44.dev20260713+nightly
codegen_flags: <defaults>
</compile_context>

<pallas_src>
import functools

import jax
import jax.numpy as jnp
from jax import lax
from jax.experimental import pallas as pl
from jax.experimental.pallas import tpu as pltpu
from jax.experimental.pallas import tpu_sc as plsc

N = 10000
E = 320000
D = 128
NC, NS = 2, 16
NW = NC * NS
K = 128
CHUNKS = 80
EPW = K * CHUNKS
EP = EPW * NW
ACC_R = 10240
SPS = ACC_R // NS
ZR = 40
LAST = N - (NS - 1) * SPS
BR = 1000
DB = 1024


def _sc_agg_body(xe, srcp, dstp, *refs):
    (out, s0, s1, didx, rows0, rows1, zbuf, acc,
     gsem0, gsem1, isem0, isem1) = refs
    cid = lax.axis_index("c")
    sid = lax.axis_index("s")
    wid = cid * NS + sid
    row0 = sid * SPS

    @pl.loop(0, ZR * (D // 16))
    def _zb(i):
        zbuf[i // (D // 16), pl.ds((i % (D // 16)) * 16, 16)] = jnp.zeros(
            (16,), jnp.float32)

    @pl.loop(0, SPS // ZR, step=8)
    def _zg(b0):
        for j in range(8):
            pltpu.async_copy(zbuf, acc.at[pl.ds(row0 + (b0 + j) * ZR, ZR)],
                             gsem0)
        for j in range(8):
            pltpu.make_async_copy(zbuf,
                                  acc.at[pl.ds(row0 + (b0 + j) * ZR, ZR)],
                                  gsem0).wait()

    pltpu.sync_copy(dstp.at[wid], didx)

    plsc.subcore_barrier()

    base = wid * EPW

    def _sidx_start(t, buf, sem):
        pltpu.async_copy(srcp.at[pl.ds(base + t * K, K)], buf, sem)

    def _sidx_wait(t, buf, sem):
        pltpu.make_async_copy(srcp.at[pl.ds(base + t * K, K)], buf,
                              sem).wait()

    def _gather_start(buf, idxbuf, sem):
        pltpu.async_copy(xe.at[idxbuf], buf, sem)

    def _gather_wait(buf, idxbuf, sem):
        pltpu.make_async_copy(xe.at[idxbuf], buf, sem).wait()

    def _scatter(t, buf):
        pltpu.sync_copy(buf, acc.at[didx.at[t]], add=True)

    pltpu.sync_copy(srcp.at[pl.ds(base, K)], s0)
    _gather_start(rows0, s0, gsem0)
    _sidx_start(1, s1, isem1)

    @pl.loop(0, CHUNKS, step=2)
    def _grp(t0):
        _sidx_wait(t0 + 1, s1, isem1)
        _gather_start(rows1, s1, gsem1)
        _gather_wait(rows0, s0, gsem0)

        @pl.when(t0 + 2 < CHUNKS)
        def _pre0():
            _sidx_start(t0 + 2, s0, isem0)

        _scatter(t0, rows0)

        @pl.when(t0 + 2 < CHUNKS)
        def _nxt():
            _sidx_wait(t0 + 2, s0, isem0)
            _gather_start(rows0, s0, gsem0)

        _gather_wait(rows1, s1, gsem1)

        @pl.when(t0 + 3 < CHUNKS)
        def _pre1():
            _sidx_start(t0 + 3, s1, isem1)

        _scatter(t0 + 1, rows1)

    plsc.subcore_barrier()

    @pl.when(sid < NS - 1)
    def _full():
        pltpu.sync_copy(acc.at[pl.ds(row0, SPS)],
                        out.at[cid, pl.ds(row0, SPS)])

    @pl.when(sid == NS - 1)
    def _short():
        pltpu.sync_copy(acc.at[pl.ds(row0, LAST)],
                        out.at[cid, pl.ds(row0, LAST)])


def _deg_hist_body(dstp2, deg_out, dbuf, cnt, sem):
    cid = lax.axis_index("c")
    sid = lax.axis_index("s")
    wid = cid * NS + sid

    @pl.loop(0, ACC_R // 16)
    def _zc(i):
        cnt[pl.ds(i * 16, 16)] = jnp.zeros((16,), jnp.float32)

    pltpu.sync_copy(dstp2.at[wid], dbuf)

    @pl.loop(0, EPW // 16)
    def _h(j):
        dv = dbuf[pl.ds(j * 16, 16)]
        plsc.addupdate_scatter(cnt, [dv], jnp.ones((16,), jnp.float32))

    pltpu.sync_copy(cnt, deg_out.at[cid, sid])


_sc_mesh = plsc.VectorSubcoreMesh(core_axis_name="c", subcore_axis_name="s")

_sc_idx_rows_scratch = [
    pltpu.VMEM((K,), jnp.int32),
    pltpu.VMEM((K,), jnp.int32),
    pltpu.VMEM((CHUNKS, K), jnp.int32),
    pltpu.VMEM((K, D), jnp.float32),
    pltpu.VMEM((K, D), jnp.float32),
    pltpu.VMEM((ZR, D), jnp.float32),
]
_sc_sems = [pltpu.SemaphoreType.DMA] * 4

_sc_agg = pl.kernel(
    _sc_agg_body,
    out_type=jax.ShapeDtypeStruct((NC, N, D), jnp.float32),
    mesh=_sc_mesh,
    scratch_types=_sc_idx_rows_scratch + [
        pltpu.VMEM_SHARED((ACC_R, D), jnp.float32),
    ] + _sc_sems,
)

_deg_hist = pl.kernel(
    _deg_hist_body,
    out_type=jax.ShapeDtypeStruct((NC, NS, ACC_R), jnp.float32),
    mesh=_sc_mesh,
    compiler_params=pltpu.CompilerParams(needs_layout_passes=False),
    scratch_types=[
        pltpu.VMEM((EPW,), jnp.int32),
        pltpu.VMEM((ACC_R,), jnp.float32),
        pltpu.SemaphoreType.DMA,
    ],
)


def _deg_format_body(dd, ident, nrm):
    s = jnp.sum(dd[...].reshape(NW, DB), axis=0, keepdims=True)
    col = lax.dot_general(ident[...], s, (((1,), (1,)), ((), ())),
                          preferred_element_type=jnp.float32)
    nrm[...] = lax.rsqrt(jnp.maximum(col, 1.0))


_deg_format = pl.pallas_call(
    _deg_format_body,
    grid=(ACC_R // DB,),
    in_specs=[
        pl.BlockSpec((NC, NS, DB), lambda i: (0, 0, i)),
        pl.BlockSpec((DB, DB), lambda i: (0, 0)),
    ],
    out_specs=pl.BlockSpec((DB, 1), lambda i: (i, 0)),
    out_shape=jax.ShapeDtypeStruct((ACC_R, 1), jnp.float32),
)


def _tc_layer_body(p0, p1, nr, xe, w, b, out, *, sig):
    agg = p0[0] + p1[0]
    h = (agg + xe[...]) * nr[...]
    y = lax.dot_general(h, w[...], (((1,), (1,)), ((), ())),
                        preferred_element_type=jnp.float32) + b[...]
    if sig:
        y = jax.nn.sigmoid(y)
    out[...] = y


def _tc_layer(p, nrm, xe, w, b, sig):
    body = functools.partial(_tc_layer_body, sig=sig)
    return pl.pallas_call(
        body,
        grid=(N // BR,),
        in_specs=[
            pl.BlockSpec((1, BR, D), lambda i: (0, i, 0)),
            pl.BlockSpec((1, BR, D), lambda i: (1, i, 0)),
            pl.BlockSpec((BR, 1), lambda i: (i, 0)),
            pl.BlockSpec((BR, D), lambda i: (i, 0)),
            pl.BlockSpec((D, D), lambda i: (0, 0)),
            pl.BlockSpec((1, D), lambda i: (0, 0)),
        ],
        out_specs=pl.BlockSpec((BR, D), lambda i: (i, 0)),
        out_shape=jax.ShapeDtypeStruct((N, D), jnp.float32),
    )(p, p, nrm, xe, w, b)


def kernel(features, edge_index, W1, b1, W2, b2):
    src = edge_index[0].astype(jnp.int32)
    dst = edge_index[1].astype(jnp.int32)
    pad = EP - E
    i = jnp.arange(pad, dtype=jnp.int32)
    srcp = jnp.concatenate([src, i % N])
    dstp = jnp.concatenate([dst, N + (i % (ACC_R - N))])
    dstp3 = dstp.reshape(NW, CHUNKS, K)
    ident = jnp.eye(DB, dtype=jnp.float32)

    deg = _deg_hist(dstp.reshape(NW, EPW))
    p1 = _sc_agg(features, srcp, dstp3)
    nrm = _deg_format(deg, ident)
    h1 = _tc_layer(p1, nrm, features, W1, b1.reshape(1, D), True)
    p2 = _sc_agg(h1, srcp, dstp3)
    return _tc_layer(p2, nrm, h1, W2, b2.reshape(1, D), False)

# --- scband reference (transcript-rebuilt; emitter-appended) ---
"""Pipeline reference for scband-gcn-84499186582210 (READ-ONLY COPY).

The authoritative reference and input builder live on the scoring server;
editing this copy changes nothing except your own understanding.
"""

import jax, jax.numpy as jnp
import numpy as np

N_NODES = 10000
N_EDGES = 320000
D_IN = 128
D_HID = 128
D_OUT = 128


def setup_inputs(seed: int = 0) -> dict:
    key = jax.random.key(seed)
    k1, k2, k3, k4, k5, k6 = jax.random.split(key, 6)
    features = jax.random.normal(k1, (N_NODES, D_IN), dtype=jnp.float32)
    edge_index = jax.random.randint(k2, (2, N_EDGES), 0, N_NODES, dtype=jnp.int64)
    # Learned parameters (nn.Linear uses W: [out, in], b: [out])
    s1 = 1.0 / np.sqrt(D_IN)
    W1 = jax.random.uniform(k3, (D_HID, D_IN), dtype=jnp.float32, minval=-s1, maxval=s1)
    b1 = jax.random.uniform(k4, (D_HID,), dtype=jnp.float32, minval=-s1, maxval=s1)
    s2 = 1.0 / np.sqrt(D_HID)
    W2 = jax.random.uniform(k5, (D_OUT, D_HID), dtype=jnp.float32, minval=-s2, maxval=s2)
    b2 = jax.random.uniform(k6, (D_OUT,), dtype=jnp.float32, minval=-s2, maxval=s2)
    return {"features": features, "edge_index": edge_index, "W1": W1, "b1": b1, "W2": W2, "b2": b2}


def _graph_conv(x, src, dst, W, b):
    n = x.shape[0]
    # copy_u + sum: aggregate source features at destination nodes
    agg = jax.ops.segment_sum(jnp.take(x, src, axis=0), dst, num_segments=n)
    h = agg + x
    deg = jnp.bincount(dst, length=n).astype(jnp.float32)
    norm = jnp.power(jnp.clip(deg, 1.0, None), -0.5)[:, None]
    h = h * norm
    return h @ W.T + b


def reference(features, edge_index, W1, b1, W2, b2):
    src = edge_index[0]
    dst = edge_index[1]
    h = jax.nn.sigmoid(_graph_conv(features, src, dst, W1, b1))
    h = _graph_conv(h, src, dst, W2, b2)
    return h

if __name__ == "__main__":
    import jax
    _d = setup_inputs()
    print(jax.jit(kernel)(*tuple(_d.values())))

</pallas_src>

<mosaic_0001>
#map = affine_map<(d0, d1) -> (0, 0)>
#map1 = affine_map<(d0, d1) -> (0, 0, 0)>
module attributes {stable_mosaic.version = 14 : i64} {
  func.func @_deg_hist_body(%arg0: i32, %arg1: i32, %arg2: memref<32x10240xi32, #tpu.memory_space<hbm>>, %arg3: memref<2x16x10240xf32, #tpu.memory_space<hbm>>, %arg4: memref<10240xi32, #tpu.memory_space<vmem>>, %arg5: memref<10240xf32, #tpu.memory_space<vmem>>, %arg6: memref<!tpu.dma_semaphore, #tpu.memory_space<semaphore_mem>>) attributes {dimension_semantics = [#tpu.dimension_semantics<core_parallel>, #tpu.dimension_semantics<subcore_parallel>], iteration_bounds = array<i64: 2, 16>, scalar_prefetch = 0 : i64, scratch_operands = 3 : i64, tpu.core_type = #tpu.core_type<sc_vector_subcore>, window_params = [{transform_indices = #map}, {transform_indices = #map1}]} {
    %mul3A = arith.constant 16 : i32
    %mul3A_0 = arith.muli %arg0, %mul3A : i32
    %add3A = arith.addi %mul3A_0, %arg1 : i32
    %scan3A = arith.constant 0 : i32
    %scan3A_1 = arith.constant 640 : i32
    %scan3A_2 = arith.addi %scan3A, %scan3A_1 : i32
    %scan3A_3 = arith.constant 1 : i32
    scf.for %scan3A_10 = %scan3A to %scan3A_2 step %scan3A_3  : i32 {
      %mul3A_11 = arith.constant 1 : i32
      %mul3A_12 = arith.muli %scan3A_10, %mul3A_11 : i32
      %add3A_13 = arith.constant 0 : i32
      %add3A_14 = arith.addi %add3A_13, %mul3A_12 : i32
      %broadcast_in_dim3A = arith.constant 0.000000e+00 : f32
      %broadcast_in_dim3A_15 = vector.broadcast %broadcast_in_dim3A : f32 to vector<16xf32>
      %mul3A_16 = arith.constant 16 : i32
      %mul3A_17 = arith.muli %add3A_14, %mul3A_16 : i32
      %swap3A = arith.index_cast %mul3A_17 : i32 to index
      %swap3A_18 = tpu.vector_load %arg5[%swap3A] {strides = array<i32>} : memref<10240xf32, #tpu.memory_space<vmem>>, vector<16xf32>,
      tpu.vector_store %arg5[%swap3A], %broadcast_in_dim3A_15 {strides = array<i32>} : memref<10240xf32, #tpu.memory_space<vmem>>, vector<16xf32>,
    }
    %scan3A_4 = arith.constant 640 : i32
    "tpu.region"() ({
      %run_scoped3A = tpu.sem_alloc : memref<!tpu.dma_semaphore, #tpu.memory_space<semaphore_mem>>
      %dma_start3A = arith.constant 0 : i32
      %dma_start3A_10 = tpu.memref_slice %arg2[%add3A, %dma_start3A] : memref<32x10240xi32, #tpu.memory_space<hbm>> -> memref<1x10240xi32, #tpu.memory_space<hbm>>
      %dma_start3A_11 = tpu.memref_squeeze %dma_start3A_10 : memref<1x10240xi32, #tpu.memory_space<hbm>> -> memref<10240xi32, #tpu.memory_space<hbm>>
      %dma_start3A_12 = arith.constant 0 : i32
      %dma_start3A_13 = tpu.memref_slice %arg2[%add3A, %dma_start3A_12] : memref<32x10240xi32, #tpu.memory_space<hbm>> -> memref<1x10240xi32, #tpu.memory_space<hbm>>
      %dma_start3A_14 = tpu.memref_squeeze %dma_start3A_13 : memref<1x10240xi32, #tpu.memory_space<hbm>> -> memref<10240xi32, #tpu.memory_space<hbm>>
      tpu.enqueue_dma source(%dma_start3A_14 : memref<10240xi32, #tpu.memory_space<hbm>>) target(%arg4 : memref<10240xi32, #tpu.memory_space<vmem>>) target_semaphore(%run_scoped3A : memref<!tpu.dma_semaphore, #tpu.memory_space<semaphore_mem>>)
      %dma_wait3A = arith.constant 0 : i32
      %dma_wait3A_15 = tpu.memref_slice %arg2[%add3A, %dma_wait3A] : memref<32x10240xi32, #tpu.memory_space<hbm>> -> memref<1x10240xi32, #tpu.memory_space<hbm>>
      %dma_wait3A_16 = tpu.memref_squeeze %dma_wait3A_15 : memref<1x10240xi32, #tpu.memory_space<hbm>> -> memref<10240xi32, #tpu.memory_space<hbm>>
      %dma_wait3A_17 = arith.constant 0 : i32
      %dma_wait3A_18 = tpu.memref_slice %arg2[%add3A, %dma_wait3A_17] : memref<32x10240xi32, #tpu.memory_space<hbm>> -> memref<1x10240xi32, #tpu.memory_space<hbm>>
      %dma_wait3A_19 = tpu.memref_squeeze %dma_wait3A_18 : memref<1x10240xi32, #tpu.memory_space<hbm>> -> memref<10240xi32, #tpu.memory_space<hbm>>
      tpu.wait_dma2 semaphore(%run_scoped3A : memref<!tpu.dma_semaphore, #tpu.memory_space<semaphore_mem>>) src(%dma_wait3A_19 : memref<10240xi32, #tpu.memory_space<hbm>>) dst(%arg4 : memref<10240xi32, #tpu.memory_space<vmem>>)
      tpu.yield
    }) : () -> ()
    %scan3A_5 = arith.constant 0 : i32
    %scan3A_6 = arith.constant 640 : i32
    %scan3A_7 = arith.addi %scan3A_5, %scan3A_6 : i32
    %scan3A_8 = arith.constant 1 : i32
    scf.for %scan3A_10 = %scan3A_5 to %scan3A_7 step %scan3A_8  : i32 {
      %mul3A_11 = arith.constant 1 : i32
      %mul3A_12 = arith.muli %scan3A_10, %mul3A_11 : i32
      %add3A_13 = arith.constant 0 : i32
      %add3A_14 = arith.addi %add3A_13, %mul3A_12 : i32
      %mul3A_15 = arith.constant 16 : i32
      %mul3A_16 = arith.muli %add3A_14, %mul3A_15 : i32
      %get3A = arith.index_cast %mul3A_16 : i32 to index
      %get3A_17 = tpu.vector_load %arg4[%get3A] {strides = array<i32>} : memref<10240xi32, #tpu.memory_space<vmem>>, vector<16xi32>,
      %broadcast_in_dim3A = arith.constant 1.000000e+00 : f32
      %broadcast_in_dim3A_18 = vector.broadcast %broadcast_in_dim3A : f32 to vector<16xf32>
      tpu.vector_store_idx %arg5[%get3A_17], %broadcast_in_dim3A_18 {add = true} : memref<10240xf32, #tpu.memory_space<vmem>>[vector<16xi32>], vector<16xf32>,
    }
    %scan3A_9 = arith.constant 640 : i32
    "tpu.region"() ({
      %run_scoped3A = tpu.sem_alloc : memref<!tpu.dma_semaphore, #tpu.memory_space<semaphore_mem>>
      %dma_start3A = arith.constant 0 : i32
      %dma_start3A_10 = tpu.memref_slice %arg3[%arg0, %arg1, %dma_start3A] : memref<2x16x10240xf32, #tpu.memory_space<hbm>> -> memref<1x1x10240xf32, #tpu.memory_space<hbm>>
      %dma_start3A_11 = tpu.memref_squeeze %dma_start3A_10 : memref<1x1x10240xf32, #tpu.memory_space<hbm>> -> memref<10240xf32, #tpu.memory_space<hbm>>
      %dma_start3A_12 = arith.constant 0 : i32
      %dma_start3A_13 = tpu.memref_slice %arg3[%arg0, %arg1, %dma_start3A_12] : memref<2x16x10240xf32, #tpu.memory_space<hbm>> -> memref<1x1x10240xf32, #tpu.memory_space<hbm>>
      %dma_start3A_14 = tpu.memref_squeeze %dma_start3A_13 : memref<1x1x10240xf32, #tpu.memory_space<hbm>> -> memref<10240xf32, #tpu.memory_space<hbm>>
      tpu.enqueue_dma source(%arg5 : memref<10240xf32, #tpu.memory_space<vmem>>) target(%dma_start3A_14 : memref<10240xf32, #tpu.memory_space<hbm>>) target_semaphore(%run_scoped3A : memref<!tpu.dma_semaphore, #tpu.memory_space<semaphore_mem>>)
      %dma_wait3A = arith.constant 0 : i32
      %dma_wait3A_15 = tpu.memref_slice %arg3[%arg0, %arg1, %dma_wait3A] : memref<2x16x10240xf32, #tpu.memory_space<hbm>> -> memref<1x1x10240xf32, #tpu.memory_space<hbm>>
      %dma_wait3A_16 = tpu.memref_squeeze %dma_wait3A_15 : memref<1x1x10240xf32, #tpu.memory_space<hbm>> -> memref<10240xf32, #tpu.memory_space<hbm>>
      %dma_wait3A_17 = arith.constant 0 : i32
      %dma_wait3A_18 = tpu.memref_slice %arg3[%arg0, %arg1, %dma_wait3A_17] : memref<2x16x10240xf32, #tpu.memory_space<hbm>> -> memref<1x1x10240xf32, #tpu.memory_space<hbm>>
      %dma_wait3A_19 = tpu.memref_squeeze %dma_wait3A_18 : memref<1x1x10240xf32, #tpu.memory_space<hbm>> -> memref<10240xf32, #tpu.memory_space<hbm>>
      tpu.wait_dma2 semaphore(%run_scoped3A : memref<!tpu.dma_semaphore, #tpu.memory_space<semaphore_mem>>) src(%arg5 : memref<10240xf32, #tpu.memory_space<vmem>>) dst(%dma_wait3A_19 : memref<10240xf32, #tpu.memory_space<hbm>>)
      tpu.yield
    }) : () -> ()
    return
  }
}

#map = affine_map<(d0, d1) -> (0, 0)>
#map1 = affine_map<(d0, d1) -> (0)>
#map2 = affine_map<(d0, d1) -> (0, 0, 0)>
module attributes {stable_mosaic.version = 14 : i64} {
  func.func @_sc_agg_body(%arg0: i32, %arg1: i32, %arg2: memref<10000x128xf32, #tpu.memory_space<hbm>>, %arg3: memref<327680xi32, #tpu.memory_space<hbm>>, %arg4: memref<32x80x128xi32, #tpu.memory_space<hbm>>, %arg5: memref<2x10000x128xf32, #tpu.memory_space<hbm>>, %arg6: memref<128xi32, #tpu.memory_space<vmem>>, %arg7: memref<128xi32, #tpu.memory_space<vmem>>, %arg8: memref<80x128xi32, #tpu.memory_space<vmem>>, %arg9: memref<128x128xf32, #tpu.memory_space<vmem>>, %arg10: memref<128x128xf32, #tpu.memory_space<vmem>>, %arg11: memref<40x128xf32, #tpu.memory_space<vmem>>, %arg12: memref<10240x128xf32, #tpu.memory_space<vmem_shared>>, %arg13: memref<!tpu.dma_semaphore, #tpu.memory_space<semaphore_mem>>, %arg14: memref<!tpu.dma_semaphore, #tpu.memory_space<semaphore_mem>>, %arg15: memref<!tpu.dma_semaphore, #tpu.memory_space<semaphore_mem>>, %arg16: memref<!tpu.dma_semaphore, #tpu.memory_space<semaphore_mem>>) attributes {dimension_semantics = [#tpu.dimension_semantics<core_parallel>, #tpu.dimension_semantics<subcore_parallel>], iteration_bounds = array<i64: 2, 16>, scalar_prefetch = 0 : i64, scratch_operands = 11 : i64, tpu.core_type = #tpu.core_type<sc_vector_subcore>, window_params = [{transform_indices = #map}, {transform_indices = #map1}, {transform_indices = #map2}, {transform_indices = #map2}]} {
    %mul3A = arith.constant 16 : i32
    %mul3A_0 = arith.muli %arg0, %mul3A : i32
    %add3A = arith.addi %mul3A_0, %arg1 : i32
    %mul3A_1 = arith.constant 640 : i32
    %mul3A_2 = arith.muli %arg1, %mul3A_1 : i32
    %scan3A = arith.constant 0 : i32
    %scan3A_3 = arith.constant 320 : i32
    %scan3A_4 = arith.addi %scan3A, %scan3A_3 : i32
    %scan3A_5 = arith.constant 1 : i32
    scf.for %scan3A_32 = %scan3A to %scan3A_4 step %scan3A_5  : i32 {
      %mul3A_33 = arith.constant 1 : i32
      %mul3A_34 = arith.muli %scan3A_32, %mul3A_33 : i32
      %add3A_35 = arith.constant 0 : i32
      %add3A_36 = arith.addi %add3A_35, %mul3A_34 : i32
      %broadcast_in_dim3A = arith.constant 0.000000e+00 : f32
      %broadcast_in_dim3A_37 = vector.broadcast %broadcast_in_dim3A : f32 to vector<16xf32>
      %jit3A = arith.constant 8 : i32
      %div3A = arith.divsi %add3A_36, %jit3A : i32
      %sign3A = arith.constant 0 : i32
      %sign3A_38 = arith.cmpi sgt, %add3A_36, %sign3A : i32
      %sign3A_39 = arith.extui %sign3A_38 : i1 to i32
      %sign3A_40 = arith.constant 0 : i32
      %sign3A_41 = arith.cmpi slt, %add3A_36, %sign3A_40 : i32
      %sign3A_42 = arith.extui %sign3A_41 : i1 to i32
      %sign3A_43 = arith.subi %sign3A_39, %sign3A_42 : i32
      %sign3A_44 = arith.constant 0 : i32
      %sign3A_45 = arith.cmpi sgt, %jit3A, %sign3A_44 : i32
      %sign3A_46 = arith.extui %sign3A_45 : i1 to i32
      %sign3A_47 = arith.constant 0 : i32
      %sign3A_48 = arith.cmpi slt, %jit3A, %sign3A_47 : i32
      %sign3A_49 = arith.extui %sign3A_48 : i1 to i32
      %sign3A_50 = arith.subi %sign3A_46, %sign3A_49 : i32
      %ne3A = arith.cmpi ne, %sign3A_43, %sign3A_50 : i32
      %rem3A = arith.remsi %add3A_36, %jit3A : i32
      %ne3A_51 = arith.constant 0 : i32
      %ne3A_52 = arith.cmpi ne, %rem3A, %ne3A_51 : i32
      %and3A = arith.andi %ne3A, %ne3A_52 : i1
      %sub3A = arith.constant 1 : i32
      %sub3A_53 = arith.subi %div3A, %sub3A : i32
      %select_n3A = arith.select %and3A, %sub3A_53, %div3A : i32
      %jit3A_54 = arith.constant 8 : i32
      %eq3A_55 = arith.constant 0 : i32
      %eq3A_56 = arith.cmpi eq, %jit3A_54, %eq3A_55 : i32
      %jit3A_57 = arith.constant 1 : i32
      %select_n3A_58 = arith.select %eq3A_56, %jit3A_57, %jit3A_54 : i32
      %rem3A_59 = arith.remsi %add3A_36, %select_n3A_58 : i32
      %ne3A_60 = arith.constant 0 : i32
      %ne3A_61 = arith.cmpi ne, %rem3A_59, %ne3A_60 : i32
      %lt3A_62 = arith.constant 0 : i32
      %lt3A_63 = arith.cmpi slt, %rem3A_59, %lt3A_62 : i32
      %lt3A_64 = arith.constant 0 : i32
      %lt3A_65 = arith.cmpi slt, %select_n3A_58, %lt3A_64 : i32
      %ne3A_66 = arith.xori %lt3A_63, %lt3A_65 : i1
      %and3A_67 = arith.andi %ne3A_66, %ne3A_61 : i1
      %add3A_68 = arith.addi %rem3A_59, %select_n3A_58 : i32
      %select_n3A_69 = arith.select %and3A_67, %add3A_68, %rem3A_59 : i32
      %mul3A_70 = arith.constant 16 : i32
      %mul3A_71 = arith.muli %select_n3A_69, %mul3A_70 : i32
      %swap3A = arith.index_cast %select_n3A : i32 to index
      %swap3A_72 = arith.index_cast %mul3A_71 : i32 to index
      %swap3A_73 = tpu.vector_load %arg11[%swap3A, %swap3A_72] {strides = array<i32>} : memref<40x128xf32, #tpu.memory_space<vmem>>, vector<1x16xf32>,
      %swap3A_74 = vector.shape_cast %swap3A_73 : vector<1x16xf32> to vector<16xf32>
      %swap3A_75 = vector.shape_cast %broadcast_in_dim3A_37 : vector<16xf32> to vector<1x16xf32>
      tpu.vector_store %arg11[%swap3A, %swap3A_72], %swap3A_75 {strides = array<i32>} : memref<40x128xf32, #tpu.memory_space<vmem>>, vector<1x16xf32>,
    }
    %scan3A_6 = arith.constant 320 : i32
    %scan3A_7 = arith.constant 0 : i32
    %scan3A_8 = arith.constant 2 : i32
    %scan3A_9 = arith.addi %scan3A_7, %scan3A_8 : i32
    %scan3A_10 = arith.constant 1 : i32
    scf.for %scan3A_32 = %scan3A_7 to %scan3A_9 step %scan3A_10  : i32 {
      %mul3A_33 = arith.constant 8 : i32
      %mul3A_34 = arith.muli %scan3A_32, %mul3A_33 : i32
      %add3A_35 = arith.constant 0 : i32
      %add3A_36 = arith.addi %add3A_35, %mul3A_34 : i32
      %add3A_37 = arith.constant 0 : i32
      %add3A_38 = arith.addi %add3A_36, %add3A_37 : i32
      %mul3A_39 = arith.constant 40 : i32
      %mul3A_40 = arith.muli %add3A_38, %mul3A_39 : i32
      %add3A_41 = arith.addi %mul3A_2, %mul3A_40 : i32
      %dma_start3A_42 = arith.constant 0 : i32
      %dma_start3A_43 = tpu.memref_slice %arg12[%add3A_41, %dma_start3A_42] : memref<10240x128xf32, #tpu.memory_space<vmem_shared>> -> memref<40x128xf32, #tpu.memory_space<vmem_shared>>
      %dma_start3A_44 = arith.constant 0 : i32
      %dma_start3A_45 = tpu.memref_slice %arg12[%add3A_41, %dma_start3A_44] : memref<10240x128xf32, #tpu.memory_space<vmem_shared>> -> memref<40x128xf32, #tpu.memory_space<vmem_shared>>
      tpu.enqueue_dma source(%arg11 : memref<40x128xf32, #tpu.memory_space<vmem>>) target(%dma_start3A_45 : memref<40x128xf32, #tpu.memory_space<vmem_shared>>) target_semaphore(%arg13 : memref<!tpu.dma_semaphore, #tpu.memory_space<semaphore_mem>>)
      %add3A_46 = arith.constant 1 : i32
      %add3A_47 = arith.addi %add3A_36, %add3A_46 : i32
      %mul3A_48 = arith.constant 40 : i32
      %mul3A_49 = arith.muli %add3A_47, %mul3A_48 : i32
      %add3A_50 = arith.addi %mul3A_2, %mul3A_49 : i32
      %dma_start3A_51 = arith.constant 0 : i32
      %dma_start3A_52 = tpu.memref_slice %arg12[%add3A_50, %dma_start3A_51] : memref<10240x128xf32, #tpu.memory_space<vmem_shared>> -> memref<40x128xf32, #tpu.memory_space<vmem_shared>>
      %dma_start3A_53 = arith.constant 0 : i32
      %dma_start3A_54 = tpu.memref_slice %arg12[%add3A_50, %dma_start3A_53] : memref<10240x128xf32, #tpu.memory_space<vmem_shared>> -> memref<40x128xf32, #tpu.memory_space<vmem_shared>>
      tpu.enqueue_dma source(%arg11 : memref<40x128xf32, #tpu.memory_space<vmem>>) target(%dma_start3A_54 : memref<40x128xf32, #tpu.memory_space<vmem_shared>>) target_semaphore(%arg13 : memref<!tpu.dma_semaphore, #tpu.memory_space<semaphore_mem>>)
      %add3A_55 = arith.constant 2 : i32
      %add3A_56 = arith.addi %add3A_36, %add3A_55 : i32
      %mul3A_57 = arith.constant 40 : i32
      %mul3A_58 = arith.muli %add3A_56, %mul3A_57 : i32
      %add3A_59 = arith.addi %mul3A_2, %mul3A_58 : i32
      %dma_start3A_60 = arith.constant 0 : i32
      %dma_start3A_61 = tpu.memref_slice %arg12[%add3A_59, %dma_start3A_60] : memref<10240x128xf32, #tpu.memory_space<vmem_shared>> -> memref<40x128xf32, #tpu.memory_space<vmem_shared>>
      %dma_start3A_62 = arith.constant 0 : i32
      %dma_start3A_63 = tpu.memref_slice %arg12[%add3A_59, %dma_start3A_62] : memref<10240x128xf32, #tpu.memory_space<vmem_shared>> -> memref<40x128xf32, #tpu.memory_space<vmem_shared>>
      tpu.enqueue_dma source(%arg11 : memref<40x128xf32, #tpu.memory_space<vmem>>) target(%dma_start3A_63 : memref<40x128xf32, #tpu.memory_space<vmem_shared>>) target_semaphore(%arg13 : memref<!tpu.dma_semaphore, #tpu.memory_space<semaphore_mem>>)
      %add3A_64 = arith.constant 3 : i32
      %add3A_65 = arith.addi %add3A_36, %add3A_64 : i32
      %mul3A_66 = arith.constant 40 : i32
      %mul3A_67 = arith.muli %add3A_65, %mul3A_66 : i32
      %add3A_68 = arith.addi %mul3A_2, %mul3A_67 : i32
      %dma_start3A_69 = arith.constant 0 : i32
      %dma_start3A_70 = tpu.memref_slice %arg12[%add3A_68, %dma_start3A_69] : memref<10240x128xf32, #tpu.memory_space<vmem_shared>> -> memref<40x128xf32, #tpu.memory_space<vmem_shared>>
      %dma_start3A_71 = arith.constant 0 : i32
      %dma_start3A_72 = tpu.memref_slice %arg12[%add3A_68, %dma_start3A_71] : memref<10240x128xf32, #tpu.memory_space<vmem_shared>> -> memref<40x128xf32, #tpu.memory_space<vmem_shared>>
      tpu.enqueue_dma source(%arg11 : memref<40x128xf32, #tpu.memory_space<vmem>>) target(%dma_start3A_72 : memref<40x128xf32, #tpu.memory_space<vmem_shared>>) target_semaphore(%arg13 : memref<!tpu.dma_semaphore, #tpu.memory_space<semaphore_mem>>)
      %add3A_73 = arith.constant 4 : i32
      %add3A_74 = arith.addi %add3A_36, %add3A_73 : i32
      %mul3A_75 = arith.constant 40 : i32
      %mul3A_76 = arith.muli %add3A_74, %mul3A_75 : i32
      %add3A_77 = arith.addi %mul3A_2, %mul3A_76 : i32
      %dma_start3A_78 = arith.constant 0 : i32
      %dma_start3A_79 = tpu.memref_slice %arg12[%add3A_77, %dma_start3A_78] : memref<10240x128xf32, #tpu.memory_space<vmem_shared>> -> memref<40x128xf32, #tpu.memory_space<vmem_shared>>
      %dma_start3A_80 = arith.constant 0 : i32
      %dma_start3A_81 = tpu.memref_slice %arg12[%add3A_77, %dma_start3A_80] : memref<10240x128xf32, #tpu.memory_space<vmem_shared>> -> memref<40x128xf32, #tpu.memory_space<vmem_shared>>
      tpu.enqueue_dma source(%arg11 : memref<40x128xf32, #tpu.memory_space<vmem>>) target(%dma_start3A_81 : memref<40x128xf32, #tpu.memory_space<vmem_shared>>) target_semaphore(%arg13 : memref<!tpu.dma_semaphore, #tpu.memory_space<semaphore_mem>>)
      %add3A_82 = arith.constant 5 : i32
      %add3A_83 = arith.addi %add3A_36, %add3A_82 : i32
      %mul3A_84 = arith.constant 40 : i32
      %mul3A_85 = arith.muli %add3A_83, %mul3A_84 : i32
      %add3A_86 = arith.addi %mul3A_2, %mul3A_85 : i32
      %dma_start3A_87 = arith.constant 0 : i32
      %dma_start3A_88 = tpu.memref_slice %arg12[%add3A_86, %dma_start3A_87] : memref<10240x128xf32, #tpu.memory_space<vmem_shared>> -> memref<40x128xf32, #tpu.memory_space<vmem_shared>>
      %dma_start3A_89 = arith.constant 0 : i32
      %dma_start3A_90 = tpu.memref_slice %arg12[%add3A_86, %dma_start3A_89] : memref<10240x128xf32, #tpu.memory_space<vmem_shared>> -> memref<40x128xf32, #tpu.memory_space<vmem_shared>>
      tpu.enqueue_dma source(%arg11 : memref<40x128xf32, #tpu.memory_space<vmem>>) target(%dma_start3A_90 : memref<40x128xf32, #tpu.memory_space<vmem_shared>>) target_semaphore(%arg13 : memref<!tpu.dma_semaphore, #tpu.memory_space<semaphore_mem>>)
      %add3A_91 = arith.constant 6 : i32
      %add3A_92 = arith.addi %add3A_36, %add3A_91 : i32
      %mul3A_93 = arith.constant 40 : i32
      %mul3A_94 = arith.muli %add3A_92, %mul3A_93 : i32
      %add3A_95 = arith.addi %mul3A_2, %mul3A_94 : i32
      %dma_start3A_96 = arith.constant 0 : i32
      %dma_start3A_97 = tpu.memref_slice %arg12[%add3A_95, %dma_start3A_96] : memref<10240x128xf32, #tpu.memory_space<vmem_shared>> -> memref<40x128xf32, #tpu.memory_space<vmem_shared>>
      %dma_start3A_98 = arith.constant 0 : i32
      %dma_start3A_99 = tpu.memref_slice %arg12[%add3A_95, %dma_start3A_98] : memref<10240x128xf32, #tpu.memory_space<vmem_shared>> -> memref<40x128xf32, #tpu.memory_space<vmem_shared>>
      tpu.enqueue_dma source(%arg11 : memref<40x128xf32, #tpu.memory_space<vmem>>) target(%dma_start3A_99 : memref<40x128xf32, #tpu.memory_space<vmem_shared>>) target_semaphore(%arg13 : memref<!tpu.dma_semaphore, #tpu.memory_space<semaphore_mem>>)
      %add3A_100 = arith.constant 7 : i32
      %add3A_101 = arith.addi %add3A_36, %add3A_100 : i32
      %mul3A_102 = arith.constant 40 : i32
      %mul3A_103 = arith.muli %add3A_101, %mul3A_102 : i32
      %add3A_104 = arith.addi %mul3A_2, %mul3A_103 : i32
      %dma_start3A_105 = arith.constant 0 : i32
      %dma_start3A_106 = tpu.memref_slice %arg12[%add3A_104, %dma_start3A_105] : memref<10240x128xf32, #tpu.memory_space<vmem_shared>> -> memref<40x128xf32, #tpu.memory_space<vmem_shared>>
      %dma_start3A_107 = arith.constant 0 : i32
      %dma_start3A_108 = tpu.memref_slice %arg12[%add3A_104, %dma_start3A_107] : memref<10240x128xf32, #tpu.memory_space<vmem_shared>> -> memref<40x128xf32, #tpu.memory_space<vmem_shared>>
      tpu.enqueue_dma source(%arg11 : memref<40x128xf32, #tpu.memory_space<vmem>>) target(%dma_start3A_108 : memref<40x128xf32, #tpu.memory_space<vmem_shared>>) target_semaphore(%arg13 : memref<!tpu.dma_semaphore, #tpu.memory_space<semaphore_mem>>)
      %add3A_109 = arith.constant 0 : i32
      %add3A_110 = arith.addi %add3A_36, %add3A_109 : i32
      %mul3A_111 = arith.constant 40 : i32
      %mul3A_112 = arith.muli %add3A_110, %mul3A_111 : i32
      %add3A_113 = arith.addi %mul3A_2, %mul3A_112 : i32
      %dma_wait3A = arith.constant 0 : i32
      %dma_wait3A_114 = tpu.memref_slice %arg12[%add3A_113, %dma_wait3A] : memref<10240x128xf32, #tpu.memory_space<vmem_shared>> -> memref<40x128xf32, #tpu.memory_space<vmem_shared>>
      %dma_wait3A_115 = arith.constant 0 : i32
      %dma_wait3A_116 = tpu.memref_slice %arg12[%add3A_113, %dma_wait3A_115] : memref<10240x128xf32, #tpu.memory_space<vmem_shared>> -> memref<40x128xf32, #tpu.memory_space<vmem_shared>>
      tpu.wait_dma2 semaphore(%arg13 : memref<!tpu.dma_semaphore, #tpu.memory_space<semaphore_mem>>) src(%arg11 : memref<40x128xf32, #tpu.memory_space<vmem>>) dst(%dma_wait3A_116 : memref<40x128xf32, #tpu.memory_space<vmem_shared>>)
      %add3A_117 = arith.constant 1 : i32
      %add3A_118 = arith.addi %add3A_36, %add3A_117 : i32
      %mul3A_119 = arith.constant 40 : i32
      %mul3A_120 = arith.muli %add3A_118, %mul3A_119 : i32
      %add3A_121 = arith.addi %mul3A_2, %mul3A_120 : i32
      %dma_wait3A_122 = arith.constant 0 : i32
      %dma_wait3A_123 = tpu.memref_slice %arg12[%add3A_121, %dma_wait3A_122] : memref<10240x128xf32, #tpu.memory_space<vmem_shared>> -> memref<40x128xf32, #tpu.memory_space<vmem_shared>>
      %dma_wait3A_124 = arith.constant 0 : i32
      %dma_wait3A_125 = tpu.memref_slice %arg12[%add3A_121, %dma_wait3A_124] : memref<10240x128xf32, #tpu.memory_space<vmem_shared>> -> memref<40x128xf32, #tpu.memory_space<vmem_shared>>
      tpu.wait_dma2 semaphore(%arg13 : memref<!tpu.dma_semaphore, #tpu.memory_space<semaphore_mem>>) src(%arg11 : memref<40x128xf32, #tpu.memory_space<vmem>>) dst(%dma_wait3A_125 : memref<40x128xf32, #tpu.memory_space<vmem_shared>>)
      %add3A_126 = arith.constant 2 : i32
      %add3A_127 = arith.addi %add3A_36, %add3A_126 : i32
      %mul3A_128 = arith.constant 40 : i32
      %mul3A_129 = arith.muli %add3A_127, %mul3A_128 : i32
      %add3A_130 = arith.addi %mul3A_2, %mul3A_129 : i32
      %dma_wait3A_131 = arith.constant 0 : i32
      %dma_wait3A_132 = tpu.memref_slice %arg12[%add3A_130, %dma_wait3A_131] : memref<10240x128xf32, #tpu.memory_space<vmem_shared>> -> memref<40x128xf32, #tpu.memory_space<vmem_shared>>
      %dma_wait3A_133 = arith.constant 0 : i32
      %dma_wait3A_134 = tpu.memref_slice %arg12[%add3A_130, %dma_wait3A_133] : memref<10240x128xf32, #tpu.memory_space<vmem_shared>> -> memref<40x128xf32, #tpu.memory_space<vmem_shared>>
      tpu.wait_dma2 semaphore(%arg13 : memref<!tpu.dma_semaphore, #tpu.memory_space<semaphore_mem>>) src(%arg11 : memref<40x128xf32, #tpu.memory_space<vmem>>) dst(%dma_wait3A_134 : memref<40x128xf32, #tpu.memory_space<vmem_shared>>)
      %add3A_135 = arith.constant 3 : i32
      %add3A_136 = arith.addi %add3A_36, %add3A_135 : i32
      %mul3A_137 = arith.constant 40 : i32
      %mul3A_138 = arith.muli %add3A_136, %mul3A_137 : i32
      %add3A_139 = arith.addi %mul3A_2, %mul3A_138 : i32
      %dma_wait3A_140 = arith.constant 0 : i32
      %dma_wait3A_141 = tpu.memref_slice %arg12[%add3A_139, %dma_wait3A_140] : memref<10240x128xf32, #tpu.memory_space<vmem_shared>> -> memref<40x128xf32, #tpu.memory_space<vmem_shared>>
      %dma_wait3A_142 = arith.constant 0 : i32
      %dma_wait3A_143 = tpu.memref_slice %arg12[%add3A_139, %dma_wait3A_142] : memref<10240x128xf32, #tpu.memory_space<vmem_shared>> -> memref<40x128xf32, #tpu.memory_space<vmem_shared>>
      tpu.wait_dma2 semaphore(%arg13 : memref<!tpu.dma_semaphore, #tpu.memory_space<semaphore_mem>>) src(%arg11 : memref<40x128xf32, #tpu.memory_space<vmem>>) dst(%dma_wait3A_143 : memref<40x128xf32, #tpu.memory_space<vmem_shared>>)
      %add3A_144 = arith.constant 4 : i32
      %add3A_145 = arith.addi %add3A_36, %add3A_144 : i32
      %mul3A_146 = arith.constant 40 : i32
      %mul3A_147 = arith.muli %add3A_145, %mul3A_146 : i32
      %add3A_148 = arith.addi %mul3A_2, %mul3A_147 : i32
      %dma_wait3A_149 = arith.constant 0 : i32
      %dma_wait3A_150 = tpu.memref_slice %arg12[%add3A_148, %dma_wait3A_149] : memref<10240x128xf32, #tpu.memory_space<vmem_shared>> -> memref<40x128xf32, #tpu.memory_space<vmem_shared>>
      %dma_wait3A_151 = arith.constant 0 : i32
      %dma_wait3A_152 = tpu.memref_slice %arg12[%add3A_148, %dma_wait3A_151] : memref<10240x128xf32, #tpu.memory_space<vmem_shared>> -> memref<40x128xf32, #tpu.memory_space<vmem_shared>>
      tpu.wait_dma2 semaphore(%arg13 : memref<!tpu.dma_semaphore, #tpu.memory_space<semaphore_mem>>) src(%arg11 : memref<40x128xf32, #tpu.memory_space<vmem>>) dst(%dma_wait3A_152 : memref<40x128xf32, #tpu.memory_space<vmem_shared>>)
      %add3A_153 = arith.constant 5 : i32
      %add3A_154 = arith.addi %add3A_36, %add3A_153 : i32
      %mul3A_155 = arith.constant 40 : i32
      %mul3A_156 = arith.muli %add3A_154, %mul3A_155 : i32
      %add3A_157 = arith.addi %mul3A_2, %mul3A_156 : i32
      %dma_wait3A_158 = arith.constant 0 : i32
      %dma_wait3A_159 = tpu.memref_slice %arg12[%add3A_157, %dma_wait3A_158] : memref<10240x128xf32, #tpu.memory_space<vmem_shared>> -> memref<40x128xf32, #tpu.memory_space<vmem_shared>>
      %dma_wait3A_160 = arith.constant 0 : i32
      %dma_wait3A_161 = tpu.memref_slice %arg12[%add3A_157, %dma_wait3A_160] : memref<10240x128xf32, #tpu.memory_space<vmem_shared>> -> memref<40x128xf32, #tpu.memory_space<vmem_shared>>
      tpu.wait_dma2 semaphore(%arg13 : memref<!tpu.dma_semaphore, #tpu.memory_space<semaphore_mem>>) src(%arg11 : memref<40x128xf32, #tpu.memory_space<vmem>>) dst(%dma_wait3A_161 : memref<40x128xf32, #tpu.memory_space<vmem_shared>>)
      %add3A_162 = arith.constant 6 : i32
      %add3A_163 = arith.addi %add3A_36, %add3A_162 : i32
      %mul3A_164 = arith.constant 40 : i32
      %mul3A_165 = arith.muli %add3A_163, %mul3A_164 : i32
      %add3A_166 = arith.addi %mul3A_2, %mul3A_165 : i32
      %dma_wait3A_167 = arith.constant 0 : i32
      %dma_wait3A_168 = tpu.memref_slice %arg12[%add3A_166, %dma_wait3A_167] : memref<10240x128xf32, #tpu.memory_space<vmem_shared>> -> memref<40x128xf32, #tpu.memory_space<vmem_shared>>
      %dma_wait3A_169 = arith.constant 0 : i32
      %dma_wait3A_170 = tpu.memref_slice %arg12[%add3A_166, %dma_wait3A_169] : memref<10240x128xf32, #tpu.memory_space<vmem_shared>> -> memref<40x128xf32, #tpu.memory_space<vmem_shared>>
      tpu.wait_dma2 semaphore(%arg13 : memref<!tpu.dma_semaphore, #tpu.memory_space<semaphore_mem>>) src(%arg11 : memref<40x128xf32, #tpu.memory_space<vmem>>) dst(%dma_wait3A_170 : memref<40x128xf32, #tpu.memory_space<vmem_shared>>)
      %add3A_171 = arith.constant 7 : i32
      %add3A_172 = arith.addi %add3A_36, %add3A_171 : i32
      %mul3A_173 = arith.constant 40 : i32
      %mul3A_174 = arith.muli %add3A_172, %mul3A_173 : i32
      %add3A_175 = arith.addi %mul3A_2, %mul3A_174 : i32
      %dma_wait3A_176 = arith.constant 0 : i32
      %dma_wait3A_177 = tpu.memref_slice %arg12[%add3A_175, %dma_wait3A_176] : memref<10240x128xf32, #tpu.memory_space<vmem_shared>> -> memref<40x128xf32, #tpu.memory_space<vmem_shared>>
      %dma_wait3A_178 = arith.constant 0 : i32
      %dma_wait3A_179 = tpu.memref_slice %arg12[%add3A_175, %dma_wait3A_178] : memref<10240x128xf32, #tpu.memory_space<vmem_shared>> -> memref<40x128xf32, #tpu.memory_space<vmem_shared>>
      tpu.wait_dma2 semaphore(%arg13 : memref<!tpu.dma_semaphore, #tpu.memory_space<semaphore_mem>>) src(%arg11 : memref<40x128xf32, #tpu.memory_space<vmem>>) dst(%dma_wait3A_179 : memref<40x128xf32, #tpu.memory_space<vmem_shared>>)
    }
    %scan3A_11 = arith.constant 2 : i32
    "tpu.region"() ({
      %run_scoped3A = tpu.sem_alloc : memref<!tpu.dma_semaphore, #tpu.memory_space<semaphore_mem>>
      %dma_start3A_32 = arith.constant 0 : i32
      %dma_start3A_33 = arith.constant 0 : i32
      %dma_start3A_34 = tpu.memref_slice %arg4[%add3A, %dma_start3A_32, %dma_start3A_33] : memref<32x80x128xi32, #tpu.memory_space<hbm>> -> memref<1x80x128xi32, #tpu.memory_space<hbm>>
      %dma_start3A_35 = tpu.memref_squeeze %dma_start3A_34 : memref<1x80x128xi32, #tpu.memory_space<hbm>> -> memref<80x128xi32, #tpu.memory_space<hbm>>
      %dma_start3A_36 = arith.constant 0 : i32
      %dma_start3A_37 = arith.constant 0 : i32
      %dma_start3A_38 = tpu.memref_slice %arg4[%add3A, %dma_start3A_36, %dma_start3A_37] : memref<32x80x128xi32, #tpu.memory_space<hbm>> -> memref<1x80x128xi32, #tpu.memory_space<hbm>>
      %dma_start3A_39 = tpu.memref_squeeze %dma_start3A_38 : memref<1x80x128xi32, #tpu.memory_space<hbm>> -> memref<80x128xi32, #tpu.memory_space<hbm>>
      tpu.enqueue_dma source(%dma_start3A_39 : memref<80x128xi32, #tpu.memory_space<hbm>>) target(%arg8 : memref<80x128xi32, #tpu.memory_space<vmem>>) target_semaphore(%run_scoped3A : memref<!tpu.dma_semaphore, #tpu.memory_space<semaphore_mem>>)
      %dma_wait3A = arith.constant 0 : i32
      %dma_wait3A_40 = arith.constant 0 : i32
      %dma_wait3A_41 = tpu.memref_slice %arg4[%add3A, %dma_wait3A, %dma_wait3A_40] : memref<32x80x128xi32, #tpu.memory_space<hbm>> -> memref<1x80x128xi32, #tpu.memory_space<hbm>>
      %dma_wait3A_42 = tpu.memref_squeeze %dma_wait3A_41 : memref<1x80x128xi32, #tpu.memory_space<hbm>> -> memref<80x128xi32, #tpu.memory_space<hbm>>
      %dma_wait3A_43 = arith.constant 0 : i32
      %dma_wait3A_44 = arith.constant 0 : i32
      %dma_wait3A_45 = tpu.memref_slice %arg4[%add3A, %dma_wait3A_43, %dma_wait3A_44] : memref<32x80x128xi32, #tpu.memory_space<hbm>> -> memref<1x80x128xi32, #tpu.memory_space<hbm>>
      %dma_wait3A_46 = tpu.memref_squeeze %dma_wait3A_45 : memref<1x80x128xi32, #tpu.memory_space<hbm>> -> memref<80x128xi32, #tpu.memory_space<hbm>>
      tpu.wait_dma2 semaphore(%run_scoped3A : memref<!tpu.dma_semaphore, #tpu.memory_space<semaphore_mem>>) src(%dma_wait3A_46 : memref<80x128xi32, #tpu.memory_space<hbm>>) dst(%arg8 : memref<80x128xi32, #tpu.memory_space<vmem>>)
      tpu.yield
    }) : () -> ()
    %barrier3A = arith.constant 0 : index
    tpu.barrier barrier_id(%barrier3A)
    %mul3A_12 = arith.constant 10240 : i32
    %mul3A_13 = arith.muli %add3A, %mul3A_12 : i32
    "tpu.region"() ({
      %run_scoped3A = tpu.sem_alloc : memref<!tpu.dma_semaphore, #tpu.memory_space<semaphore_mem>>
      %dma_start3A_32 = tpu.memref_slice %arg3[%mul3A_13] : memref<327680xi32, #tpu.memory_space<hbm>> -> memref<128xi32, #tpu.memory_space<hbm>>
      %dma_start3A_33 = tpu.memref_slice %arg3[%mul3A_13] : memref<327680xi32, #tpu.memory_space<hbm>> -> memref<128xi32, #tpu.memory_space<hbm>>
      tpu.enqueue_dma source(%dma_start3A_33 : memref<128xi32, #tpu.memory_space<hbm>>) target(%arg6 : memref<128xi32, #tpu.memory_space<vmem>>) target_semaphore(%run_scoped3A : memref<!tpu.dma_semaphore, #tpu.memory_space<semaphore_mem>>)
      %dma_wait3A = tpu.memref_slice %arg3[%mul3A_13] : memref<327680xi32, #tpu.memory_space<hbm>> -> memref<128xi32, #tpu.memory_space<hbm>>
      %dma_wait3A_34 = tpu.memref_slice %arg3[%mul3A_13] : memref<327680xi32, #tpu.memory_space<hbm>> -> memref<128xi32, #tpu.memory_space<hbm>>
      tpu.wait_dma2 semaphore(%run_scoped3A : memref<!tpu.dma_semaphore, #tpu.memory_space<semaphore_mem>>) src(%dma_wait3A_34 : memref<128xi32, #tpu.memory_space<hbm>>) dst(%arg6 : memref<128xi32, #tpu.memory_space<vmem>>)
      tpu.yield
    }) : () -> ()
    %dma_start3A = arith.constant 0 : i32
    %dma_start3A_14 = arith.constant 0 : i32
    %dma_start3A_15 = tpu.memref_slice %arg2[%dma_start3A, %dma_start3A_14] : memref<10000x128xf32, #tpu.memory_space<hbm>> -> memref<10000x128xf32, #tpu.memory_space<hbm>>
    tpu.enqueue_indirect_dma source(%dma_start3A_15 : memref<10000x128xf32, #tpu.memory_space<hbm>>) target(%arg9 : memref<128x128xf32, #tpu.memory_space<vmem>>) offsets(%arg6 : memref<128xi32, #tpu.memory_space<vmem>>) semaphore(%arg13 : memref<!tpu.dma_semaphore, #tpu.memory_space<semaphore_mem>>)
    %add3A_16 = arith.constant 128 : i32
    %add3A_17 = arith.addi %mul3A_13, %add3A_16 : i32
    %dma_start3A_18 = tpu.memref_slice %arg3[%add3A_17] : memref<327680xi32, #tpu.memory_space<hbm>> -> memref<128xi32, #tpu.memory_space<hbm>>
    %dma_start3A_19 = tpu.memref_slice %arg3[%add3A_17] : memref<327680xi32, #tpu.memory_space<hbm>> -> memref<128xi32, #tpu.memory_space<hbm>>
    tpu.enqueue_dma source(%dma_start3A_19 : memref<128xi32, #tpu.memory_space<hbm>>) target(%arg7 : memref<128xi32, #tpu.memory_space<vmem>>) target_semaphore(%arg16 : memref<!tpu.dma_semaphore, #tpu.memory_space<semaphore_mem>>)
    %scan3A_20 = arith.constant 0 : i32
    %scan3A_21 = arith.constant 40 : i32
    %scan3A_22 = arith.addi %scan3A_20, %scan3A_21 : i32
    %scan3A_23 = arith.constant 1 : i32
    scf.for %scan3A_32 = %scan3A_20 to %scan3A_22 step %scan3A_23  : i32 {
      %mul3A_33 = arith.constant 2 : i32
      %mul3A_34 = arith.muli %scan3A_32, %mul3A_33 : i32
      %add3A_35 = arith.constant 0 : i32
      %add3A_36 = arith.addi %add3A_35, %mul3A_34 : i32
      %add3A_37 = arith.constant 1 : i32
      %add3A_38 = arith.addi %add3A_36, %add3A_37 : i32
      %mul3A_39 = arith.constant 128 : i32
      %mul3A_40 = arith.muli %add3A_38, %mul3A_39 : i32
      %add3A_41 = arith.addi %mul3A_13, %mul3A_40 : i32
      %dma_wait3A = tpu.memref_slice %arg3[%add3A_41] : memref<327680xi32, #tpu.memory_space<hbm>> -> memref<128xi32, #tpu.memory_space<hbm>>
      %dma_wait3A_42 = tpu.memref_slice %arg3[%add3A_41] : memref<327680xi32, #tpu.memory_space<hbm>> -> memref<128xi32, #tpu.memory_space<hbm>>
      tpu.wait_dma2 semaphore(%arg16 : memref<!tpu.dma_semaphore, #tpu.memory_space<semaphore_mem>>) src(%dma_wait3A_42 : memref<128xi32, #tpu.memory_space<hbm>>) dst(%arg7 : memref<128xi32, #tpu.memory_space<vmem>>)
      %dma_start3A_43 = arith.constant 0 : i32
      %dma_start3A_44 = arith.constant 0 : i32
      %dma_start3A_45 = tpu.memref_slice %arg2[%dma_start3A_43, %dma_start3A_44] : memref<10000x128xf32, #tpu.memory_space<hbm>> -> memref<10000x128xf32, #tpu.memory_space<hbm>>
      tpu.enqueue_indirect_dma source(%dma_start3A_45 : memref<10000x128xf32, #tpu.memory_space<hbm>>) target(%arg10 : memref<128x128xf32, #tpu.memory_space<vmem>>) offsets(%arg7 : memref<128xi32, #tpu.memory_space<vmem>>) semaphore(%arg14 : memref<!tpu.dma_semaphore, #tpu.memory_space<semaphore_mem>>)
      %dma_wait3A_46 = arith.constant 0 : i32
      %dma_wait3A_47 = arith.constant 0 : i32
      %dma_wait3A_48 = tpu.memref_slice %arg2[%dma_wait3A_46, %dma_wait3A_47] : memref<10000x128xf32, #tpu.memory_space<hbm>> -> memref<10000x128xf32, #tpu.memory_space<hbm>>
      tpu.wait_indirect_dma semaphore(%arg13 : memref<!tpu.dma_semaphore, #tpu.memory_space<semaphore_mem>>) src(%dma_wait3A_48 : memref<10000x128xf32, #tpu.memory_space<hbm>>) dst(%arg9 : memref<128x128xf32, #tpu.memory_space<vmem>>)
      %add3A_49 = arith.constant 2 : i32
      %add3A_50 = arith.addi %add3A_36, %add3A_49 : i32
      %lt3A_51 = arith.constant 80 : i32
      %lt3A_52 = arith.cmpi slt, %add3A_50, %lt3A_51 : i32
      %convert_element_type3A_53 = arith.extui %lt3A_52 : i1 to i32
      %cond3A_54 = arith.constant 0 : i32
      %cond3A_55 = arith.cmpi ne, %convert_element_type3A_53, %cond3A_54 : i32
      scf.if %cond3A_55 {
        %add3A_75 = arith.constant 2 : i32
        %add3A_76 = arith.addi %add3A_36, %add3A_75 : i32
        %mul3A_77 = arith.constant 128 : i32
        %mul3A_78 = arith.muli %add3A_76, %mul3A_77 : i32
        %add3A_79 = arith.addi %mul3A_13, %mul3A_78 : i32
        %dma_start3A_80 = tpu.memref_slice %arg3[%add3A_79] : memref<327680xi32, #tpu.memory_space<hbm>> -> memref<128xi32, #tpu.memory_space<hbm>>
        %dma_start3A_81 = tpu.memref_slice %arg3[%add3A_79] : memref<327680xi32, #tpu.memory_space<hbm>> -> memref<128xi32, #tpu.memory_space<hbm>>
        tpu.enqueue_dma source(%dma_start3A_81 : memref<128xi32, #tpu.memory_space<hbm>>) target(%arg6 : memref<128xi32, #tpu.memory_space<vmem>>) target_semaphore(%arg15 : memref<!tpu.dma_semaphore, #tpu.memory_space<semaphore_mem>>)
      } else {
      }
      "tpu.region"() ({
        %run_scoped3A = tpu.sem_alloc : memref<!tpu.dma_semaphore, #tpu.memory_space<semaphore_mem>>
        %dma_start3A_75 = arith.constant 0 : i32
        %dma_start3A_76 = tpu.memref_slice %arg8[%add3A_36, %dma_start3A_75] : memref<80x128xi32, #tpu.memory_space<vmem>> -> memref<1x128xi32, #tpu.memory_space<vmem>>
        %dma_start3A_77 = tpu.memref_squeeze %dma_start3A_76 : memref<1x128xi32, #tpu.memory_space<vmem>> -> memref<128xi32, #tpu.memory_space<vmem>>
        %dma_start3A_78 = arith.constant 0 : i32
        %dma_start3A_79 = arith.constant 0 : i32
        %dma_start3A_80 = tpu.memref_slice %arg12[%dma_start3A_78, %dma_start3A_79] : memref<10240x128xf32, #tpu.memory_space<vmem_shared>> -> memref<10240x128xf32, #tpu.memory_space<vmem_shared>>
        tpu.enqueue_indirect_dma source(%arg9 : memref<128x128xf32, #tpu.memory_space<vmem>>) target(%dma_start3A_80 : memref<10240x128xf32, #tpu.memory_space<vmem_shared>>) offsets(%dma_start3A_77 : memref<128xi32, #tpu.memory_space<vmem>>) semaphore(%run_scoped3A : memref<!tpu.dma_semaphore, #tpu.memory_space<semaphore_mem>>) {add = true}
        %dma_wait3A_81 = arith.constant 0 : i32
        %dma_wait3A_82 = tpu.memref_slice %arg8[%add3A_36, %dma_wait3A_81] : memref<80x128xi32, #tpu.memory_space<vmem>> -> memref<1x128xi32, #tpu.memory_space<vmem>>
        %dma_wait3A_83 = tpu.memref_squeeze %dma_wait3A_82 : memref<1x128xi32, #tpu.memory_space<vmem>> -> memref<128xi32, #tpu.memory_space<vmem>>
        %dma_wait3A_84 = arith.constant 0 : i32
        %dma_wait3A_85 = arith.constant 0 : i32
        %dma_wait3A_86 = tpu.memref_slice %arg12[%dma_wait3A_84, %dma_wait3A_85] : memref<10240x128xf32, #tpu.memory_space<vmem_shared>> -> memref<10240x128xf32, #tpu.memory_space<vmem_shared>>
        tpu.wait_indirect_dma semaphore(%run_scoped3A : memref<!tpu.dma_semaphore, #tpu.memory_space<semaphore_mem>>) src(%arg9 : memref<128x128xf32, #tpu.memory_space<vmem>>) dst(%dma_wait3A_86 : memref<10240x128xf32, #tpu.memory_space<vmem_shared>>)
        tpu.yield
      }) : () -> ()
      %add3A_56 = arith.constant 2 : i32
      %add3A_57 = arith.addi %add3A_36, %add3A_56 : i32
      %lt3A_58 = arith.constant 80 : i32
      %lt3A_59 = arith.cmpi slt, %add3A_57, %lt3A_58 : i32
      %convert_element_type3A_60 = arith.extui %lt3A_59 : i1 to i32
      %cond3A_61 = arith.constant 0 : i32
      %cond3A_62 = arith.cmpi ne, %convert_element_type3A_60, %cond3A_61 : i32
      scf.if %cond3A_62 {
        %add3A_75 = arith.constant 2 : i32
        %add3A_76 = arith.addi %add3A_36, %add3A_75 : i32
        %mul3A_77 = arith.constant 128 : i32
        %mul3A_78 = arith.muli %add3A_76, %mul3A_77 : i32
        %add3A_79 = arith.addi %mul3A_13, %mul3A_78 : i32
        %dma_wait3A_80 = tpu.memref_slice %arg3[%add3A_79] : memref<327680xi32, #tpu.memory_space<hbm>> -> memref<128xi32, #tpu.memory_space<hbm>>
        %dma_wait3A_81 = tpu.memref_slice %arg3[%add3A_79] : memref<327680xi32, #tpu.memory_space<hbm>> -> memref<128xi32, #tpu.memory_space<hbm>>
        tpu.wait_dma2 semaphore(%arg15 : memref<!tpu.dma_semaphore, #tpu.memory_space<semaphore_mem>>) src(%dma_wait3A_81 : memref<128xi32, #tpu.memory_space<hbm>>) dst(%arg6 : memref<128xi32, #tpu.memory_space<vmem>>)
        %dma_start3A_82 = arith.constant 0 : i32
        %dma_start3A_83 = arith.constant 0 : i32
        %dma_start3A_84 = tpu.memref_slice %arg2[%dma_start3A_82, %dma_start3A_83] : memref<10000x128xf32, #tpu.memory_space<hbm>> -> memref<10000x128xf32, #tpu.memory_space<hbm>>
        tpu.enqueue_indirect_dma source(%dma_start3A_84 : memref<10000x128xf32, #tpu.memory_space<hbm>>) target(%arg9 : memref<128x128xf32, #tpu.memory_space<vmem>>) offsets(%arg6 : memref<128xi32, #tpu.memory_space<vmem>>) semaphore(%arg13 : memref<!tpu.dma_semaphore, #tpu.memory_space<semaphore_mem>>)
      } else {
      }
      %dma_wait3A_63 = arith.constant 0 : i32
      %dma_wait3A_64 = arith.constant 0 : i32
      %dma_wait3A_65 = tpu.memref_slice %arg2[%dma_wait3A_63, %dma_wait3A_64] : memref<10000x128xf32, #tpu.memory_space<hbm>> -> memref<10000x128xf32, #tpu.memory_space<hbm>>
      tpu.wait_indirect_dma semaphore(%arg14 : memref<!tpu.dma_semaphore, #tpu.memory_space<semaphore_mem>>) src(%dma_wait3A_65 : memref<10000x128xf32, #tpu.memory_space<hbm>>) dst(%arg10 : memref<128x128xf32, #tpu.memory_space<vmem>>)
      %add3A_66 = arith.constant 3 : i32
      %add3A_67 = arith.addi %add3A_36, %add3A_66 : i32
      %lt3A_68 = arith.constant 80 : i32
      %lt3A_69 = arith.cmpi slt, %add3A_67, %lt3A_68 : i32
      %convert_element_type3A_70 = arith.extui %lt3A_69 : i1 to i32
      %cond3A_71 = arith.constant 0 : i32
      %cond3A_72 = arith.cmpi ne, %convert_element_type3A_70, %cond3A_71 : i32
      scf.if %cond3A_72 {
        %add3A_75 = arith.constant 3 : i32
        %add3A_76 = arith.addi %add3A_36, %add3A_75 : i32
        %mul3A_77 = arith.constant 128 : i32
        %mul3A_78 = arith.muli %add3A_76, %mul3A_77 : i32
        %add3A_79 = arith.addi %mul3A_13, %mul3A_78 : i32
        %dma_start3A_80 = tpu.memref_slice %arg3[%add3A_79] : memref<327680xi32, #tpu.memory_space<hbm>> -> memref<128xi32, #tpu.memory_space<hbm>>
        %dma_start3A_81 = tpu.memref_slice %arg3[%add3A_79] : memref<327680xi32, #tpu.memory_space<hbm>> -> memref<128xi32, #tpu.memory_space<hbm>>
        tpu.enqueue_dma source(%dma_start3A_81 : memref<128xi32, #tpu.memory_space<hbm>>) target(%arg7 : memref<128xi32, #tpu.memory_space<vmem>>) target_semaphore(%arg16 : memref<!tpu.dma_semaphore, #tpu.memory_space<semaphore_mem>>)
      } else {
      }
      %add3A_73 = arith.constant 1 : i32
      %add3A_74 = arith.addi %add3A_36, %add3A_73 : i32
      "tpu.region"() ({
        %run_scoped3A = tpu.sem_alloc : memref<!tpu.dma_semaphore, #tpu.memory_space<semaphore_mem>>
        %dma_start3A_75 = arith.constant 0 : i32
        %dma_start3A_76 = tpu.memref_slice %arg8[%add3A_74, %dma_start3A_75] : memref<80x128xi32, #tpu.memory_space<vmem>> -> memref<1x128xi32, #tpu.memory_space<vmem>>
        %dma_start3A_77 = tpu.memref_squeeze %dma_start3A_76 : memref<1x128xi32, #tpu.memory_space<vmem>> -> memref<128xi32, #tpu.memory_space<vmem>>
        %dma_start3A_78 = arith.constant 0 : i32
        %dma_start3A_79 = arith.constant 0 : i32
        %dma_start3A_80 = tpu.memref_slice %arg12[%dma_start3A_78, %dma_start3A_79] : memref<10240x128xf32, #tpu.memory_space<vmem_shared>> -> memref<10240x128xf32, #tpu.memory_space<vmem_shared>>
        tpu.enqueue_indirect_dma source(%arg10 : memref<128x128xf32, #tpu.memory_space<vmem>>) target(%dma_start3A_80 : memref<10240x128xf32, #tpu.memory_space<vmem_shared>>) offsets(%dma_start3A_77 : memref<128xi32, #tpu.memory_space<vmem>>) semaphore(%run_scoped3A : memref<!tpu.dma_semaphore, #tpu.memory_space<semaphore_mem>>) {add = true}
        %dma_wait3A_81 = arith.constant 0 : i32
        %dma_wait3A_82 = tpu.memref_slice %arg8[%add3A_74, %dma_wait3A_81] : memref<80x128xi32, #tpu.memory_space<vmem>> -> memref<1x128xi32, #tpu.memory_space<vmem>>
        %dma_wait3A_83 = tpu.memref_squeeze %dma_wait3A_82 : memref<1x128xi32, #tpu.memory_space<vmem>> -> memref<128xi32, #tpu.memory_space<vmem>>
        %dma_wait3A_84 = arith.constant 0 : i32
        %dma_wait3A_85 = arith.constant 0 : i32
        %dma_wait3A_86 = tpu.memref_slice %arg12[%dma_wait3A_84, %dma_wait3A_85] : memref<10240x128xf32, #tpu.memory_space<vmem_shared>> -> memref<10240x128xf32, #tpu.memory_space<vmem_shared>>
        tpu.wait_indirect_dma semaphore(%run_scoped3A : memref<!tpu.dma_semaphore, #tpu.memory_space<semaphore_mem>>) src(%arg10 : memref<128x128xf32, #tpu.memory_space<vmem>>) dst(%dma_wait3A_86 : memref<10240x128xf32, #tpu.memory_space<vmem_shared>>)
        tpu.yield
      }) : () -> ()
    }
    %scan3A_24 = arith.constant 40 : i32
    %barrier3A_25 = arith.constant 0 : index
    tpu.barrier barrier_id(%barrier3A_25)
    %lt3A = arith.constant 15 : i32
    %lt3A_26 = arith.cmpi slt, %arg1, %lt3A : i32
    %convert_element_type3A = arith.extui %lt3A_26 : i1 to i32
    %cond3A = arith.constant 0 : i32
    %cond3A_27 = arith.cmpi ne, %convert_element_type3A, %cond3A : i32
    scf.if %cond3A_27 {
      "tpu.region"() ({
        %run_scoped3A = tpu.sem_alloc : memref<!tpu.dma_semaphore, #tpu.memory_space<semaphore_mem>>
        %dma_start3A_32 = arith.constant 0 : i32
        %dma_start3A_33 = tpu.memref_slice %arg5[%arg0, %mul3A_2, %dma_start3A_32] : memref<2x10000x128xf32, #tpu.memory_space<hbm>> -> memref<1x640x128xf32, #tpu.memory_space<hbm>>
        %dma_start3A_34 = tpu.memref_squeeze %dma_start3A_33 : memref<1x640x128xf32, #tpu.memory_space<hbm>> -> memref<640x128xf32, #tpu.memory_space<hbm>>
        %dma_start3A_35 = arith.constant 0 : i32
        %dma_start3A_36 = tpu.memref_slice %arg12[%mul3A_2, %dma_start3A_35] : memref<10240x128xf32, #tpu.memory_space<vmem_shared>> -> memref<640x128xf32, #tpu.memory_space<vmem_shared>>
        tpu.enqueue_dma source(%dma_start3A_36 : memref<640x128xf32, #tpu.memory_space<vmem_shared>>) target(%dma_start3A_34 : memref<640x128xf32, #tpu.memory_space<hbm>>) target_semaphore(%run_scoped3A : memref<!tpu.dma_semaphore, #tpu.memory_space<semaphore_mem>>)
        %dma_wait3A = arith.constant 0 : i32
        %dma_wait3A_37 = tpu.memref_slice %arg5[%arg0, %mul3A_2, %dma_wait3A] : memref<2x10000x128xf32, #tpu.memory_space<hbm>> -> memref<1x640x128xf32, #tpu.memory_space<hbm>>
        %dma_wait3A_38 = tpu.memref_squeeze %dma_wait3A_37 : memref<1x640x128xf32, #tpu.memory_space<hbm>> -> memref<640x128xf32, #tpu.memory_space<hbm>>
        %dma_wait3A_39 = arith.constant 0 : i32
        %dma_wait3A_40 = tpu.memref_slice %arg12[%mul3A_2, %dma_wait3A_39] : memref<10240x128xf32, #tpu.memory_space<vmem_shared>> -> memref<640x128xf32, #tpu.memory_space<vmem_shared>>
        tpu.wait_dma2 semaphore(%run_scoped3A : memref<!tpu.dma_semaphore, #tpu.memory_space<semaphore_mem>>) src(%dma_wait3A_40 : memref<640x128xf32, #tpu.memory_space<vmem_shared>>) dst(%dma_wait3A_38 : memref<640x128xf32, #tpu.memory_space<hbm>>)
        tpu.yield
      }) : () -> ()
    } else {
    }
    %eq3A = arith.constant 15 : i32
    %eq3A_28 = arith.cmpi eq, %arg1, %eq3A : i32
    %convert_element_type3A_29 = arith.extui %eq3A_28 : i1 to i32
    %cond3A_30 = arith.constant 0 : i32
    %cond3A_31 = arith.cmpi ne, %convert_element_type3A_29, %cond3A_30 : i32
    scf.if %cond3A_31 {
      "tpu.region"() ({
        %run_scoped3A = tpu.sem_alloc : memref<!tpu.dma_semaphore, #tpu.memory_space<semaphore_mem>>
        %dma_start3A_32 = arith.constant 0 : i32
        %dma_start3A_33 = tpu.memref_slice %arg5[%arg0, %mul3A_2, %dma_start3A_32] : memref<2x10000x128xf32, #tpu.memory_space<hbm>> -> memref<1x400x128xf32, #tpu.memory_space<hbm>>
        %dma_start3A_34 = tpu.memref_squeeze %dma_start3A_33 : memref<1x400x128xf32, #tpu.memory_space<hbm>> -> memref<400x128xf32, #tpu.memory_space<hbm>>
        %dma_start3A_35 = arith.constant 0 : i32
        %dma_start3A_36 = tpu.memref_slice %arg12[%mul3A_2, %dma_start3A_35] : memref<10240x128xf32, #tpu.memory_space<vmem_shared>> -> memref<400x128xf32, #tpu.memory_space<vmem_shared>>
        tpu.enqueue_dma source(%dma_start3A_36 : memref<400x128xf32, #tpu.memory_space<vmem_shared>>) target(%dma_start3A_34 : memref<400x128xf32, #tpu.memory_space<hbm>>) target_semaphore(%run_scoped3A : memref<!tpu.dma_semaphore, #tpu.memory_space<semaphore_mem>>)
        %dma_wait3A = arith.constant 0 : i32
        %dma_wait3A_37 = tpu.memref_slice %arg5[%arg0, %mul3A_2, %dma_wait3A] : memref<2x10000x128xf32, #tpu.memory_space<hbm>> -> memref<1x400x128xf32, #tpu.memory_space<hbm>>
        %dma_wait3A_38 = tpu.memref_squeeze %dma_wait3A_37 : memref<1x400x128xf32, #tpu.memory_space<hbm>> -> memref<400x128xf32, #tpu.memory_space<hbm>>
        %dma_wait3A_39 = arith.constant 0 : i32
        %dma_wait3A_40 = tpu.memref_slice %arg12[%mul3A_2, %dma_wait3A_39] : memref<10240x128xf32, #tpu.memory_space<vmem_shared>> -> memref<400x128xf32, #tpu.memory_space<vmem_shared>>
        tpu.wait_dma2 semaphore(%run_scoped3A : memref<!tpu.dma_semaphore, #tpu.memory_space<semaphore_mem>>) src(%dma_wait3A_40 : memref<400x128xf32, #tpu.memory_space<vmem_shared>>) dst(%dma_wait3A_38 : memref<400x128xf32, #tpu.memory_space<hbm>>)
        tpu.yield
      }) : () -> ()
    } else {
    }
    return
  }
}

#map = affine_map<(d0, d1) -> (0, 0)>
#map1 = affine_map<(d0, d1) -> (0)>
#map2 = affine_map<(d0, d1) -> (0, 0, 0)>
module attributes {stable_mosaic.version = 14 : i64} {
  func.func @_sc_agg_body(%arg0: i32, %arg1: i32, %arg2: memref<10000x128xf32, #tpu.memory_space<hbm>>, %arg3: memref<327680xi32, #tpu.memory_space<hbm>>, %arg4: memref<32x80x128xi32, #tpu.memory_space<hbm>>, %arg5: memref<2x10000x128xf32, #tpu.memory_space<hbm>>, %arg6: memref<128xi32, #tpu.memory_space<vmem>>, %arg7: memref<128xi32, #tpu.memory_space<vmem>>, %arg8: memref<80x128xi32, #tpu.memory_space<vmem>>, %arg9: memref<128x128xf32, #tpu.memory_space<vmem>>, %arg10: memref<128x128xf32, #tpu.memory_space<vmem>>, %arg11: memref<40x128xf32, #tpu.memory_space<vmem>>, %arg12: memref<10240x128xf32, #tpu.memory_space<vmem_shared>>, %arg13: memref<!tpu.dma_semaphore, #tpu.memory_space<semaphore_mem>>, %arg14: memref<!tpu.dma_semaphore, #tpu.memory_space<semaphore_mem>>, %arg15: memref<!tpu.dma_semaphore, #tpu.memory_space<semaphore_mem>>, %arg16: memref<!tpu.dma_semaphore, #tpu.memory_space<semaphore_mem>>) attributes {dimension_semantics = [#tpu.dimension_semantics<core_parallel>, #tpu.dimension_semantics<subcore_parallel>], iteration_bounds = array<i64: 2, 16>, scalar_prefetch = 0 : i64, scratch_operands = 11 : i64, tpu.core_type = #tpu.core_type<sc_vector_subcore>, window_params = [{transform_indices = #map}, {transform_indices = #map1}, {transform_indices = #map2}, {transform_indices = #map2}]} {
    %mul3A = arith.constant 16 : i32
    %mul3A_0 = arith.muli %arg0, %mul3A : i32
    %add3A = arith.addi %mul3A_0, %arg1 : i32
    %mul3A_1 = arith.constant 640 : i32
    %mul3A_2 = arith.muli %arg1, %mul3A_1 : i32
    %scan3A = arith.constant 0 : i32
    %scan3A_3 = arith.constant 320 : i32
    %scan3A_4 = arith.addi %scan3A, %scan3A_3 : i32
    %scan3A_5 = arith.constant 1 : i32
    scf.for %scan3A_32 = %scan3A to %scan3A_4 step %scan3A_5  : i32 {
      %mul3A_33 = arith.constant 1 : i32
      %mul3A_34 = arith.muli %scan3A_32, %mul3A_33 : i32
      %add3A_35 = arith.constant 0 : i32
      %add3A_36 = arith.addi %add3A_35, %mul3A_34 : i32
      %broadcast_in_dim3A = arith.constant 0.000000e+00 : f32
      %broadcast_in_dim3A_37 = vector.broadcast %broadcast_in_dim3A : f32 to vector<16xf32>
      %jit3A = arith.constant 8 : i32
      %div3A = arith.divsi %add3A_36, %jit3A : i32
      %sign3A = arith.constant 0 : i32
      %sign3A_38 = arith.cmpi sgt, %add3A_36, %sign3A : i32
      %sign3A_39 = arith.extui %sign3A_38 : i1 to i32
      %sign3A_40 = arith.constant 0 : i32
      %sign3A_41 = arith.cmpi slt, %add3A_36, %sign3A_40 : i32
      %sign3A_42 = arith.extui %sign3A_41 : i1 to i32
      %sign3A_43 = arith.subi %sign3A_39, %sign3A_42 : i32
      %sign3A_44 = arith.constant 0 : i32
      %sign3A_45 = arith.cmpi sgt, %jit3A, %sign3A_44 : i32
      %sign3A_46 = arith.extui %sign3A_45 : i1 to i32
      %sign3A_47 = arith.constant 0 : i32
      %sign3A_48 = arith.cmpi slt, %jit3A, %sign3A_47 : i32
      %sign3A_49 = arith.extui %sign3A_48 : i1 to i32
      %sign3A_50 = arith.subi %sign3A_46, %sign3A_49 : i32
      %ne3A = arith.cmpi ne, %sign3A_43, %sign3A_50 : i32
      %rem3A = arith.remsi %add3A_36, %jit3A : i32
      %ne3A_51 = arith.constant 0 : i32
      %ne3A_52 = arith.cmpi ne, %rem3A, %ne3A_51 : i32
      %and3A = arith.andi %ne3A, %ne3A_52 : i1
      %sub3A = arith.constant 1 : i32
      %sub3A_53 = arith.subi %div3A, %sub3A : i32
      %select_n3A = arith.select %and3A, %sub3A_53, %div3A : i32
      %jit3A_54 = arith.constant 8 : i32
      %eq3A_55 = arith.constant 0 : i32
      %eq3A_56 = arith.cmpi eq, %jit3A_54, %eq3A_55 : i32
      %jit3A_57 = arith.constant 1 : i32
      %select_n3A_58 = arith.select %eq3A_56, %jit3A_57, %jit3A_54 : i32
      %rem3A_59 = arith.remsi %add3A_36, %select_n3A_58 : i32
      %ne3A_60 = arith.constant 0 : i32
      %ne3A_61 = arith.cmpi ne, %rem3A_59, %ne3A_60 : i32
      %lt3A_62 = arith.constant 0 : i32
      %lt3A_63 = arith.cmpi slt, %rem3A_59, %lt3A_62 : i32
      %lt3A_64 = arith.constant 0 : i32
      %lt3A_65 = arith.cmpi slt, %select_n3A_58, %lt3A_64 : i32
      %ne3A_66 = arith.xori %lt3A_63, %lt3A_65 : i1
      %and3A_67 = arith.andi %ne3A_66, %ne3A_61 : i1
      %add3A_68 = arith.addi %rem3A_59, %select_n3A_58 : i32
      %select_n3A_69 = arith.select %and3A_67, %add3A_68, %rem3A_59 : i32
      %mul3A_70 = arith.constant 16 : i32
      %mul3A_71 = arith.muli %select_n3A_69, %mul3A_70 : i32
      %swap3A = arith.index_cast %select_n3A : i32 to index
      %swap3A_72 = arith.index_cast %mul3A_71 : i32 to index
      %swap3A_73 = tpu.vector_load %arg11[%swap3A, %swap3A_72] {strides = array<i32>} : memref<40x128xf32, #tpu.memory_space<vmem>>, vector<1x16xf32>,
      %swap3A_74 = vector.shape_cast %swap3A_73 : vector<1x16xf32> to vector<16xf32>
      %swap3A_75 = vector.shape_cast %broadcast_in_dim3A_37 : vector<16xf32> to vector<1x16xf32>
      tpu.vector_store %arg11[%swap3A, %swap3A_72], %swap3A_75 {strides = array<i32>} : memref<40x128xf32, #tpu.memory_space<vmem>>, vector<1x16xf32>,
    }
    %scan3A_6 = arith.constant 320 : i32
    %scan3A_7 = arith.constant 0 : i32
    %scan3A_8 = arith.constant 2 : i32
    %scan3A_9 = arith.addi %scan3A_7, %scan3A_8 : i32
    %scan3A_10 = arith.constant 1 : i32
    scf.for %scan3A_32 = %scan3A_7 to %scan3A_9 step %scan3A_10  : i32 {
      %mul3A_33 = arith.constant 8 : i32
      %mul3A_34 = arith.muli %scan3A_32, %mul3A_33 : i32
      %add3A_35 = arith.constant 0 : i32
      %add3A_36 = arith.addi %add3A_35, %mul3A_34 : i32
      %add3A_37 = arith.constant 0 : i32
      %add3A_38 = arith.addi %add3A_36, %add3A_37 : i32
      %mul3A_39 = arith.constant 40 : i32
      %mul3A_40 = arith.muli %add3A_38, %mul3A_39 : i32
      %add3A_41 = arith.addi %mul3A_2, %mul3A_40 : i32
      %dma_start3A_42 = arith.constant 0 : i32
      %dma_start3A_43 = tpu.memref_slice %arg12[%add3A_41, %dma_start3A_42] : memref<10240x128xf32, #tpu.memory_space<vmem_shared>> -> memref<40x128xf32, #tpu.memory_space<vmem_shared>>
      %dma_start3A_44 = arith.constant 0 : i32
      %dma_start3A_45 = tpu.memref_slice %arg12[%add3A_41, %dma_start3A_44] : memref<10240x128xf32, #tpu.memory_space<vmem_shared>> -> memref<40x128xf32, #tpu.memory_space<vmem_shared>>
      tpu.enqueue_dma source(%arg11 : memref<40x128xf32, #tpu.memory_space<vmem>>) target(%dma_start3A_45 : memref<40x128xf32, #tpu.memory_space<vmem_shared>>) target_semaphore(%arg13 : memref<!tpu.dma_semaphore, #tpu.memory_space<semaphore_mem>>)
      %add3A_46 = arith.constant 1 : i32
      %add3A_47 = arith.addi %add3A_36, %add3A_46 : i32
      %mul3A_48 = arith.constant 40 : i32
      %mul3A_49 = arith.muli %add3A_47, %mul3A_48 : i32
      %add3A_50 = arith.addi %mul3A_2, %mul3A_49 : i32
      %dma_start3A_51 = arith.constant 0 : i32
      %dma_start3A_52 = tpu.memref_slice %arg12[%add3A_50, %dma_start3A_51] : memref<10240x128xf32, #tpu.memory_space<vmem_shared>> -> memref<40x128xf32, #tpu.memory_space<vmem_shared>>
      %dma_start3A_53 = arith.constant 0 : i32
      %dma_start3A_54 = tpu.memref_slice %arg12[%add3A_50, %dma_start3A_53] : memref<10240x128xf32, #tpu.memory_space<vmem_shared>> -> memref<40x128xf32, #tpu.memory_space<vmem_shared>>
      tpu.enqueue_dma source(%arg11 : memref<40x128xf32, #tpu.memory_space<vmem>>) target(%dma_start3A_54 : memref<40x128xf32, #tpu.memory_space<vmem_shared>>) target_semaphore(%arg13 : memref<!tpu.dma_semaphore, #tpu.memory_space<semaphore_mem>>)
      %add3A_55 = arith.constant 2 : i32
      %add3A_56 = arith.addi %add3A_36, %add3A_55 : i32
      %mul3A_57 = arith.constant 40 : i32
      %mul3A_58 = arith.muli %add3A_56, %mul3A_57 : i32
      %add3A_59 = arith.addi %mul3A_2, %mul3A_58 : i32
      %dma_start3A_60 = arith.constant 0 : i32
      %dma_start3A_61 = tpu.memref_slice %arg12[%add3A_59, %dma_start3A_60] : memref<10240x128xf32, #tpu.memory_space<vmem_shared>> -> memref<40x128xf32, #tpu.memory_space<vmem_shared>>
      %dma_start3A_62 = arith.constant 0 : i32
      %dma_start3A_63 = tpu.memref_slice %arg12[%add3A_59, %dma_start3A_62] : memref<10240x128xf32, #tpu.memory_space<vmem_shared>> -> memref<40x128xf32, #tpu.memory_space<vmem_shared>>
      tpu.enqueue_dma source(%arg11 : memref<40x128xf32, #tpu.memory_space<vmem>>) target(%dma_start3A_63 : memref<40x128xf32, #tpu.memory_space<vmem_shared>>) target_semaphore(%arg13 : memref<!tpu.dma_semaphore, #tpu.memory_space<semaphore_mem>>)
      %add3A_64 = arith.constant 3 : i32
      %add3A_65 = arith.addi %add3A_36, %add3A_64 : i32
      %mul3A_66 = arith.constant 40 : i32
      %mul3A_67 = arith.muli %add3A_65, %mul3A_66 : i32
      %add3A_68 = arith.addi %mul3A_2, %mul3A_67 : i32
      %dma_start3A_69 = arith.constant 0 : i32
      %dma_start3A_70 = tpu.memref_slice %arg12[%add3A_68, %dma_start3A_69] : memref<10240x128xf32, #tpu.memory_space<vmem_shared>> -> memref<40x128xf32, #tpu.memory_space<vmem_shared>>
      %dma_start3A_71 = arith.constant 0 : i32
      %dma_start3A_72 = tpu.memref_slice %arg12[%add3A_68, %dma_start3A_71] : memref<10240x128xf32, #tpu.memory_space<vmem_shared>> -> memref<40x128xf32, #tpu.memory_space<vmem_shared>>
      tpu.enqueue_dma source(%arg11 : memref<40x128xf32, #tpu.memory_space<vmem>>) target(%dma_start3A_72 : memref<40x128xf32, #tpu.memory_space<vmem_shared>>) target_semaphore(%arg13 : memref<!tpu.dma_semaphore, #tpu.memory_space<semaphore_mem>>)
      %add3A_73 = arith.constant 4 : i32
      %add3A_74 = arith.addi %add3A_36, %add3A_73 : i32
      %mul3A_75 = arith.constant 40 : i32
      %mul3A_76 = arith.muli %add3A_74, %mul3A_75 : i32
      %add3A_77 = arith.addi %mul3A_2, %mul3A_76 : i32
      %dma_start3A_78 = arith.constant 0 : i32
      %dma_start3A_79 = tpu.memref_slice %arg12[%add3A_77, %dma_start3A_78] : memref<10240x128xf32, #tpu.memory_space<vmem_shared>> -> memref<40x128xf32, #tpu.memory_space<vmem_shared>>
      %dma_start3A_80 = arith.constant 0 : i32
      %dma_start3A_81 = tpu.memref_slice %arg12[%add3A_77, %dma_start3A_80] : memref<10240x128xf32, #tpu.memory_space<vmem_shared>> -> memref<40x128xf32, #tpu.memory_space<vmem_shared>>
      tpu.enqueue_dma source(%arg11 : memref<40x128xf32, #tpu.memory_space<vmem>>) target(%dma_start3A_81 : memref<40x128xf32, #tpu.memory_space<vmem_shared>>) target_semaphore(%arg13 : memref<!tpu.dma_semaphore, #tpu.memory_space<semaphore_mem>>)
      %add3A_82 = arith.constant 5 : i32
      %add3A_83 = arith.addi %add3A_36, %add3A_82 : i32
      %mul3A_84 = arith.constant 40 : i32
      %mul3A_85 = arith.muli %add3A_83, %mul3A_84 : i32
      %add3A_86 = arith.addi %mul3A_2, %mul3A_85 : i32
      %dma_start3A_87 = arith.constant 0 : i32
      %dma_start3A_88 = tpu.memref_slice %arg12[%add3A_86, %dma_start3A_87] : memref<10240x128xf32, #tpu.memory_space<vmem_shared>> -> memref<40x128xf32, #tpu.memory_space<vmem_shared>>
      %dma_start3A_89 = arith.constant 0 : i32
      %dma_start3A_90 = tpu.memref_slice %arg12[%add3A_86, %dma_start3A_89] : memref<10240x128xf32, #tpu.memory_space<vmem_shared>> -> memref<40x128xf32, #tpu.memory_space<vmem_shared>>
      tpu.enqueue_dma source(%arg11 : memref<40x128xf32, #tpu.memory_space<vmem>>) target(%dma_start3A_90 : memref<40x128xf32, #tpu.memory_space<vmem_shared>>) target_semaphore(%arg13 : memref<!tpu.dma_semaphore, #tpu.memory_space<semaphore_mem>>)
      %add3A_91 = arith.constant 6 : i32
      %add3A_92 = arith.addi %add3A_36, %add3A_91 : i32
      %mul3A_93 = arith.constant 40 : i32
      %mul3A_94 = arith.muli %add3A_92, %mul3A_93 : i32
      %add3A_95 = arith.addi %mul3A_2, %mul3A_94 : i32
      %dma_start3A_96 = arith.constant 0 : i32
      %dma_start3A_97 = tpu.memref_slice %arg12[%add3A_95, %dma_start3A_96] : memref<10240x128xf32, #tpu.memory_space<vmem_shared>> -> memref<40x128xf32, #tpu.memory_space<vmem_shared>>
      %dma_start3A_98 = arith.constant 0 : i32
      %dma_start3A_99 = tpu.memref_slice %arg12[%add3A_95, %dma_start3A_98] : memref<10240x128xf32, #tpu.memory_space<vmem_shared>> -> memref<40x128xf32, #tpu.memory_space<vmem_shared>>
      tpu.enqueue_dma source(%arg11 : memref<40x128xf32, #tpu.memory_space<vmem>>) target(%dma_start3A_99 : memref<40x128xf32, #tpu.memory_space<vmem_shared>>) target_semaphore(%arg13 : memref<!tpu.dma_semaphore, #tpu.memory_space<semaphore_mem>>)
      %add3A_100 = arith.constant 7 : i32
      %add3A_101 = arith.addi %add3A_36, %add3A_100 : i32
      %mul3A_102 = arith.constant 40 : i32
      %mul3A_103 = arith.muli %add3A_101, %mul3A_102 : i32
      %add3A_104 = arith.addi %mul3A_2, %mul3A_103 : i32
      %dma_start3A_105 = arith.constant 0 : i32
      %dma_start3A_106 = tpu.memref_slice %arg12[%add3A_104, %dma_start3A_105] : memref<10240x128xf32, #tpu.memory_space<vmem_shared>> -> memref<40x128xf32, #tpu.memory_space<vmem_shared>>
      %dma_start3A_107 = arith.constant 0 : i32
      %dma_start3A_108 = tpu.memref_slice %arg12[%add3A_104, %dma_start3A_107] : memref<10240x128xf32, #tpu.memory_space<vmem_shared>> -> memref<40x128xf32, #tpu.memory_space<vmem_shared>>
      tpu.enqueue_dma source(%arg11 : memref<40x128xf32, #tpu.memory_space<vmem>>) target(%dma_start3A_108 : memref<40x128xf32, #tpu.memory_space<vmem_shared>>) target_semaphore(%arg13 : memref<!tpu.dma_semaphore, #tpu.memory_space<semaphore_mem>>)
      %add3A_109 = arith.constant 0 : i32
      %add3A_110 = arith.addi %add3A_36, %add3A_109 : i32
      %mul3A_111 = arith.constant 40 : i32
      %mul3A_112 = arith.muli %add3A_110, %mul3A_111 : i32
      %add3A_113 = arith.addi %mul3A_2, %mul3A_112 : i32
      %dma_wait3A = arith.constant 0 : i32
      %dma_wait3A_114 = tpu.memref_slice %arg12[%add3A_113, %dma_wait3A] : memref<10240x128xf32, #tpu.memory_space<vmem_shared>> -> memref<40x128xf32, #tpu.memory_space<vmem_shared>>
      %dma_wait3A_115 = arith.constant 0 : i32
      %dma_wait3A_116 = tpu.memref_slice %arg12[%add3A_113, %dma_wait3A_115] : memref<10240x128xf32, #tpu.memory_space<vmem_shared>> -> memref<40x128xf32, #tpu.memory_space<vmem_shared>>
      tpu.wait_dma2 semaphore(%arg13 : memref<!tpu.dma_semaphore, #tpu.memory_space<semaphore_mem>>) src(%arg11 : memref<40x128xf32, #tpu.memory_space<vmem>>) dst(%dma_wait3A_116 : memref<40x128xf32, #tpu.memory_space<vmem_shared>>)
      %add3A_117 = arith.constant 1 : i32
      %add3A_118 = arith.addi %add3A_36, %add3A_117 : i32
      %mul3A_119 = arith.constant 40 : i32
      %mul3A_120 = arith.muli %add3A_118, %mul3A_119 : i32
      %add3A_121 = arith.addi %mul3A_2, %mul3A_120 : i32
      %dma_wait3A_122 = arith.constant 0 : i32
      %dma_wait3A_123 = tpu.memref_slice %arg12[%add3A_121, %dma_wait3A_122] : memref<10240x128xf32, #tpu.memory_space<vmem_shared>> -> memref<40x128xf32, #tpu.memory_space<vmem_shared>>
      %dma_wait3A_124 = arith.constant 0 : i32
      %dma_wait3A_125 = tpu.memref_slice %arg12[%add3A_121, %dma_wait3A_124] : memref<10240x128xf32, #tpu.memory_space<vmem_shared>> -> memref<40x128xf32, #tpu.memory_space<vmem_shared>>
      tpu.wait_dma2 semaphore(%arg13 : memref<!tpu.dma_semaphore, #tpu.memory_space<semaphore_mem>>) src(%arg11 : memref<40x128xf32, #tpu.memory_space<vmem>>) dst(%dma_wait3A_125 : memref<40x128xf32, #tpu.memory_space<vmem_shared>>)
      %add3A_126 = arith.constant 2 : i32
      %add3A_127 = arith.addi %add3A_36, %add3A_126 : i32
      %mul3A_128 = arith.constant 40 : i32
      %mul3A_129 = arith.muli %add3A_127, %mul3A_128 : i32
      %add3A_130 = arith.addi %mul3A_2, %mul3A_129 : i32
      %dma_wait3A_131 = arith.constant 0 : i32
      %dma_wait3A_132 = tpu.memref_slice %arg12[%add3A_130, %dma_wait3A_131] : memref<10240x128xf32, #tpu.memory_space<vmem_shared>> -> memref<40x128xf32, #tpu.memory_space<vmem_shared>>
      %dma_wait3A_133 = arith.constant 0 : i32
      %dma_wait3A_134 = tpu.memref_slice %arg12[%add3A_130, %dma_wait3A_133] : memref<10240x128xf32, #tpu.memory_space<vmem_shared>> -> memref<40x128xf32, #tpu.memory_space<vmem_shared>>
      tpu.wait_dma2 semaphore(%arg13 : memref<!tpu.dma_semaphore, #tpu.memory_space<semaphore_mem>>) src(%arg11 : memref<40x128xf32, #tpu.memory_space<vmem>>) dst(%dma_wait3A_134 : memref<40x128xf32, #tpu.memory_space<vmem_shared>>)
      %add3A_135 = arith.constant 3 : i32
      %add3A_136 = arith.addi %add3A_36, %add3A_135 : i32
      %mul3A_137 = arith.constant 40 : i32
      %mul3A_138 = arith.muli %add3A_136, %mul3A_137 : i32
      %add3A_139 = arith.addi %mul3A_2, %mul3A_138 : i32
      %dma_wait3A_140 = arith.constant 0 : i32
      %dma_wait3A_141 = tpu.memref_slice %arg12[%add3A_139, %dma_wait3A_140] : memref<10240x128xf32, #tpu.memory_space<vmem_shared>> -> memref<40x128xf32, #tpu.memory_space<vmem_shared>>
      %dma_wait3A_142 = arith.constant 0 : i32
      %dma_wait3A_143 = tpu.memref_slice %arg12[%add3A_139, %dma_wait3A_142] : memref<10240x128xf32, #tpu.memory_space<vmem_shared>> -> memref<40x128xf32, #tpu.memory_space<vmem_shared>>
      tpu.wait_dma2 semaphore(%arg13 : memref<!tpu.dma_semaphore, #tpu.memory_space<semaphore_mem>>) src(%arg11 : memref<40x128xf32, #tpu.memory_space<vmem>>) dst(%dma_wait3A_143 : memref<40x128xf32, #tpu.memory_space<vmem_shared>>)
      %add3A_144 = arith.constant 4 : i32
      %add3A_145 = arith.addi %add3A_36, %add3A_144 : i32
      %mul3A_146 = arith.constant 40 : i32
      %mul3A_147 = arith.muli %add3A_145, %mul3A_146 : i32
      %add3A_148 = arith.addi %mul3A_2, %mul3A_147 : i32
      %dma_wait3A_149 = arith.constant 0 : i32
      %dma_wait3A_150 = tpu.memref_slice %arg12[%add3A_148, %dma_wait3A_149] : memref<10240x128xf32, #tpu.memory_space<vmem_shared>> -> memref<40x128xf32, #tpu.memory_space<vmem_shared>>
      %dma_wait3A_151 = arith.constant 0 : i32
      %dma_wait3A_152 = tpu.memref_slice %arg12[%add3A_148, %dma_wait3A_151] : memref<10240x128xf32, #tpu.memory_space<vmem_shared>> -> memref<40x128xf32, #tpu.memory_space<vmem_shared>>
      tpu.wait_dma2 semaphore(%arg13 : memref<!tpu.dma_semaphore, #tpu.memory_space<semaphore_mem>>) src(%arg11 : memref<40x128xf32, #tpu.memory_space<vmem>>) dst(%dma_wait3A_152 : memref<40x128xf32, #tpu.memory_space<vmem_shared>>)
      %add3A_153 = arith.constant 5 : i32
      %add3A_154 = arith.addi %add3A_36, %add3A_153 : i32
      %mul3A_155 = arith.constant 40 : i32
      %mul3A_156 = arith.muli %add3A_154, %mul3A_155 : i32
      %add3A_157 = arith.addi %mul3A_2, %mul3A_156 : i32
      %dma_wait3A_158 = arith.constant 0 : i32
      %dma_wait3A_159 = tpu.memref_slice %arg12[%add3A_157, %dma_wait3A_158] : memref<10240x128xf32, #tpu.memory_space<vmem_shared>> -> memref<40x128xf32, #tpu.memory_space<vmem_shared>>
      %dma_wait3A_160 = arith.constant 0 : i32
      %dma_wait3A_161 = tpu.memref_slice %arg12[%add3A_157, %dma_wait3A_160] : memref<10240x128xf32, #tpu.memory_space<vmem_shared>> -> memref<40x128xf32, #tpu.memory_space<vmem_shared>>
      tpu.wait_dma2 semaphore(%arg13 : memref<!tpu.dma_semaphore, #tpu.memory_space<semaphore_mem>>) src(%arg11 : memref<40x128xf32, #tpu.memory_space<vmem>>) dst(%dma_wait3A_161 : memref<40x128xf32, #tpu.memory_space<vmem_shared>>)
      %add3A_162 = arith.constant 6 : i32
      %add3A_163 = arith.addi %add3A_36, %add3A_162 : i32
      %mul3A_164 = arith.constant 40 : i32
      %mul3A_165 = arith.muli %add3A_163, %mul3A_164 : i32
      %add3A_166 = arith.addi %mul3A_2, %mul3A_165 : i32
      %dma_wait3A_167 = arith.constant 0 : i32
      %dma_wait3A_168 = tpu.memref_slice %arg12[%add3A_166, %dma_wait3A_167] : memref<10240x128xf32, #tpu.memory_space<vmem_shared>> -> memref<40x128xf32, #tpu.memory_space<vmem_shared>>
      %dma_wait3A_169 = arith.constant 0 : i32
      %dma_wait3A_170 = tpu.memref_slice %arg12[%add3A_166, %dma_wait3A_169] : memref<10240x128xf32, #tpu.memory_space<vmem_shared>> -> memref<40x128xf32, #tpu.memory_space<vmem_shared>>
      tpu.wait_dma2 semaphore(%arg13 : memref<!tpu.dma_semaphore, #tpu.memory_space<semaphore_mem>>) src(%arg11 : memref<40x128xf32, #tpu.memory_space<vmem>>) dst(%dma_wait3A_170 : memref<40x128xf32, #tpu.memory_space<vmem_shared>>)
      %add3A_171 = arith.constant 7 : i32
      %add3A_172 = arith.addi %add3A_36, %add3A_171 : i32
      %mul3A_173 = arith.constant 40 : i32
      %mul3A_174 = arith.muli %add3A_172, %mul3A_173 : i32
      %add3A_175 = arith.addi %mul3A_2, %mul3A_174 : i32
      %dma_wait3A_176 = arith.constant 0 : i32
      %dma_wait3A_177 = tpu.memref_slice %arg12[%add3A_175, %dma_wait3A_176] : memref<10240x128xf32, #tpu.memory_space<vmem_shared>> -> memref<40x128xf32, #tpu.memory_space<vmem_shared>>
      %dma_wait3A_178 = arith.constant 0 : i32
      %dma_wait3A_179 = tpu.memref_slice %arg12[%add3A_175, %dma_wait3A_178] : memref<10240x128xf32, #tpu.memory_space<vmem_shared>> -> memref<40x128xf32, #tpu.memory_space<vmem_shared>>
      tpu.wait_dma2 semaphore(%arg13 : memref<!tpu.dma_semaphore, #tpu.memory_space<semaphore_mem>>) src(%arg11 : memref<40x128xf32, #tpu.memory_space<vmem>>) dst(%dma_wait3A_179 : memref<40x128xf32, #tpu.memory_space<vmem_shared>>)
    }
    %scan3A_11 = arith.constant 2 : i32
    "tpu.region"() ({
      %run_scoped3A = tpu.sem_alloc : memref<!tpu.dma_semaphore, #tpu.memory_space<semaphore_mem>>
      %dma_start3A_32 = arith.constant 0 : i32
      %dma_start3A_33 = arith.constant 0 : i32
      %dma_start3A_34 = tpu.memref_slice %arg4[%add3A, %dma_start3A_32, %dma_start3A_33] : memref<32x80x128xi32, #tpu.memory_space<hbm>> -> memref<1x80x128xi32, #tpu.memory_space<hbm>>
      %dma_start3A_35 = tpu.memref_squeeze %dma_start3A_34 : memref<1x80x128xi32, #tpu.memory_space<hbm>> -> memref<80x128xi32, #tpu.memory_space<hbm>>
      %dma_start3A_36 = arith.constant 0 : i32
      %dma_start3A_37 = arith.constant 0 : i32
      %dma_start3A_38 = tpu.memref_slice %arg4[%add3A, %dma_start3A_36, %dma_start3A_37] : memref<32x80x128xi32, #tpu.memory_space<hbm>> -> memref<1x80x128xi32, #tpu.memory_space<hbm>>
      %dma_start3A_39 = tpu.memref_squeeze %dma_start3A_38 : memref<1x80x128xi32, #tpu.memory_space<hbm>> -> memref<80x128xi32, #tpu.memory_space<hbm>>
      tpu.enqueue_dma source(%dma_start3A_39 : memref<80x128xi32, #tpu.memory_space<hbm>>) target(%arg8 : memref<80x128xi32, #tpu.memory_space<vmem>>) target_semaphore(%run_scoped3A : memref<!tpu.dma_semaphore, #tpu.memory_space<semaphore_mem>>)
      %dma_wait3A = arith.constant 0 : i32
      %dma_wait3A_40 = arith.constant 0 : i32
      %dma_wait3A_41 = tpu.memref_slice %arg4[%add3A, %dma_wait3A, %dma_wait3A_40] : memref<32x80x128xi32, #tpu.memory_space<hbm>> -> memref<1x80x128xi32, #tpu.memory_space<hbm>>
      %dma_wait3A_42 = tpu.memref_squeeze %dma_wait3A_41 : memref<1x80x128xi32, #tpu.memory_space<hbm>> -> memref<80x128xi32, #tpu.memory_space<hbm>>
      %dma_wait3A_43 = arith.constant 0 : i32
      %dma_wait3A_44 = arith.constant 0 : i32
      %dma_wait3A_45 = tpu.memref_slice %arg4[%add3A, %dma_wait3A_43, %dma_wait3A_44] : memref<32x80x128xi32, #tpu.memory_space<hbm>> -> memref<1x80x128xi32, #tpu.memory_space<hbm>>
      %dma_wait3A_46 = tpu.memref_squeeze %dma_wait3A_45 : memref<1x80x128xi32, #tpu.memory_space<hbm>> -> memref<80x128xi32, #tpu.memory_space<hbm>>
      tpu.wait_dma2 semaphore(%run_scoped3A : memref<!tpu.dma_semaphore, #tpu.memory_space<semaphore_mem>>) src(%dma_wait3A_46 : memref<80x128xi32, #tpu.memory_space<hbm>>) dst(%arg8 : memref<80x128xi32, #tpu.memory_space<vmem>>)
      tpu.yield
    }) : () -> ()
    %barrier3A = arith.constant 0 : index
    tpu.barrier barrier_id(%barrier3A)
    %mul3A_12 = arith.constant 10240 : i32
    %mul3A_13 = arith.muli %add3A, %mul3A_12 : i32
    "tpu.region"() ({
      %run_scoped3A = tpu.sem_alloc : memref<!tpu.dma_semaphore, #tpu.memory_space<semaphore_mem>>
      %dma_start3A_32 = tpu.memref_slice %arg3[%mul3A_13] : memref<327680xi32, #tpu.memory_space<hbm>> -> memref<128xi32, #tpu.memory_space<hbm>>
      %dma_start3A_33 = tpu.memref_slice %arg3[%mul3A_13] : memref<327680xi32, #tpu.memory_space<hbm>> -> memref<128xi32, #tpu.memory_space<hbm>>
      tpu.enqueue_dma source(%dma_start3A_33 : memref<128xi32, #tpu.memory_space<hbm>>) target(%arg6 : memref<128xi32, #tpu.memory_space<vmem>>) target_semaphore(%run_scoped3A : memref<!tpu.dma_semaphore, #tpu.memory_space<semaphore_mem>>)
      %dma_wait3A = tpu.memref_slice %arg3[%mul3A_13] : memref<327680xi32, #tpu.memory_space<hbm>> -> memref<128xi32, #tpu.memory_space<hbm>>
      %dma_wait3A_34 = tpu.memref_slice %arg3[%mul3A_13] : memref<327680xi32, #tpu.memory_space<hbm>> -> memref<128xi32, #tpu.memory_space<hbm>>
      tpu.wait_dma2 semaphore(%run_scoped3A : memref<!tpu.dma_semaphore, #tpu.memory_space<semaphore_mem>>) src(%dma_wait3A_34 : memref<128xi32, #tpu.memory_space<hbm>>) dst(%arg6 : memref<128xi32, #tpu.memory_space<vmem>>)
      tpu.yield
    }) : () -> ()
    %dma_start3A = arith.constant 0 : i32
    %dma_start3A_14 = arith.constant 0 : i32
    %dma_start3A_15 = tpu.memref_slice %arg2[%dma_start3A, %dma_start3A_14] : memref<10000x128xf32, #tpu.memory_space<hbm>> -> memref<10000x128xf32, #tpu.memory_space<hbm>>
    tpu.enqueue_indirect_dma source(%dma_start3A_15 : memref<10000x128xf32, #tpu.memory_space<hbm>>) target(%arg9 : memref<128x128xf32, #tpu.memory_space<vmem>>) offsets(%arg6 : memref<128xi32, #tpu.memory_space<vmem>>) semaphore(%arg13 : memref<!tpu.dma_semaphore, #tpu.memory_space<semaphore_mem>>)
    %add3A_16 = arith.constant 128 : i32
    %add3A_17 = arith.addi %mul3A_13, %add3A_16 : i32
    %dma_start3A_18 = tpu.memref_slice %arg3[%add3A_17] : memref<327680xi32, #tpu.memory_space<hbm>> -> memref<128xi32, #tpu.memory_space<hbm>>
    %dma_start3A_19 = tpu.memref_slice %arg3[%add3A_17] : memref<327680xi32, #tpu.memory_space<hbm>> -> memref<128xi32, #tpu.memory_space<hbm>>
    tpu.enqueue_dma source(%dma_start3A_19 : memref<128xi32, #tpu.memory_space<hbm>>) target(%arg7 : memref<128xi32, #tpu.memory_space<vmem>>) target_semaphore(%arg16 : memref<!tpu.dma_semaphore, #tpu.memory_space<semaphore_mem>>)
    %scan3A_20 = arith.constant 0 : i32
    %scan3A_21 = arith.constant 40 : i32
    %scan3A_22 = arith.addi %scan3A_20, %scan3A_21 : i32
    %scan3A_23 = arith.constant 1 : i32
    scf.for %scan3A_32 = %scan3A_20 to %scan3A_22 step %scan3A_23  : i32 {
      %mul3A_33 = arith.constant 2 : i32
      %mul3A_34 = arith.muli %scan3A_32, %mul3A_33 : i32
      %add3A_35 = arith.constant 0 : i32
      %add3A_36 = arith.addi %add3A_35, %mul3A_34 : i32
      %add3A_37 = arith.constant 1 : i32
      %add3A_38 = arith.addi %add3A_36, %add3A_37 : i32
      %mul3A_39 = arith.constant 128 : i32
      %mul3A_40 = arith.muli %add3A_38, %mul3A_39 : i32
      %add3A_41 = arith.addi %mul3A_13, %mul3A_40 : i32
      %dma_wait3A = tpu.memref_slice %arg3[%add3A_41] : memref<327680xi32, #tpu.memory_space<hbm>> -> memref<128xi32, #tpu.memory_space<hbm>>
      %dma_wait3A_42 = tpu.memref_slice %arg3[%add3A_41] : memref<327680xi32, #tpu.memory_space<hbm>> -> memref<128xi32, #tpu.memory_space<hbm>>
      tpu.wait_dma2 semaphore(%arg16 : memref<!tpu.dma_semaphore, #tpu.memory_space<semaphore_mem>>) src(%dma_wait3A_42 : memref<128xi32, #tpu.memory_space<hbm>>) dst(%arg7 : memref<128xi32, #tpu.memory_space<vmem>>)
      %dma_start3A_43 = arith.constant 0 : i32
      %dma_start3A_44 = arith.constant 0 : i32
      %dma_start3A_45 = tpu.memref_slice %arg2[%dma_start3A_43, %dma_start3A_44] : memref<10000x128xf32, #tpu.memory_space<hbm>> -> memref<10000x128xf32, #tpu.memory_space<hbm>>
      tpu.enqueue_indirect_dma source(%dma_start3A_45 : memref<10000x128xf32, #tpu.memory_space<hbm>>) target(%arg10 : memref<128x128xf32, #tpu.memory_space<vmem>>) offsets(%arg7 : memref<128xi32, #tpu.memory_space<vmem>>) semaphore(%arg14 : memref<!tpu.dma_semaphore, #tpu.memory_space<semaphore_mem>>)
      %dma_wait3A_46 = arith.constant 0 : i32
      %dma_wait3A_47 = arith.constant 0 : i32
      %dma_wait3A_48 = tpu.memref_slice %arg2[%dma_wait3A_46, %dma_wait3A_47] : memref<10000x128xf32, #tpu.memory_space<hbm>> -> memref<10000x128xf32, #tpu.memory_space<hbm>>
      tpu.wait_indirect_dma semaphore(%arg13 : memref<!tpu.dma_semaphore, #tpu.memory_space<semaphore_mem>>) src(%dma_wait3A_48 : memref<10000x128xf32, #tpu.memory_space<hbm>>) dst(%arg9 : memref<128x128xf32, #tpu.memory_space<vmem>>)
      %add3A_49 = arith.constant 2 : i32
      %add3A_50 = arith.addi %add3A_36, %add3A_49 : i32
      %lt3A_51 = arith.constant 80 : i32
      %lt3A_52 = arith.cmpi slt, %add3A_50, %lt3A_51 : i32
      %convert_element_type3A_53 = arith.extui %lt3A_52 : i1 to i32
      %cond3A_54 = arith.constant 0 : i32
      %cond3A_55 = arith.cmpi ne, %convert_element_type3A_53, %cond3A_54 : i32
      scf.if %cond3A_55 {
        %add3A_75 = arith.constant 2 : i32
        %add3A_76 = arith.addi %add3A_36, %add3A_75 : i32
        %mul3A_77 = arith.constant 128 : i32
        %mul3A_78 = arith.muli %add3A_76, %mul3A_77 : i32
        %add3A_79 = arith.addi %mul3A_13, %mul3A_78 : i32
        %dma_start3A_80 = tpu.memref_slice %arg3[%add3A_79] : memref<327680xi32, #tpu.memory_space<hbm>> -> memref<128xi32, #tpu.memory_space<hbm>>
        %dma_start3A_81 = tpu.memref_slice %arg3[%add3A_79] : memref<327680xi32, #tpu.memory_space<hbm>> -> memref<128xi32, #tpu.memory_space<hbm>>
        tpu.enqueue_dma source(%dma_start3A_81 : memref<128xi32, #tpu.memory_space<hbm>>) target(%arg6 : memref<128xi32, #tpu.memory_space<vmem>>) target_semaphore(%arg15 : memref<!tpu.dma_semaphore, #tpu.memory_space<semaphore_mem>>)
      } else {
      }
      "tpu.region"() ({
        %run_scoped3A = tpu.sem_alloc : memref<!tpu.dma_semaphore, #tpu.memory_space<semaphore_mem>>
        %dma_start3A_75 = arith.constant 0 : i32
        %dma_start3A_76 = tpu.memref_slice %arg8[%add3A_36, %dma_start3A_75] : memref<80x128xi32, #tpu.memory_space<vmem>> -> memref<1x128xi32, #tpu.memory_space<vmem>>
        %dma_start3A_77 = tpu.memref_squeeze %dma_start3A_76 : memref<1x128xi32, #tpu.memory_space<vmem>> -> memref<128xi32, #tpu.memory_space<vmem>>
        %dma_start3A_78 = arith.constant 0 : i32
        %dma_start3A_79 = arith.constant 0 : i32
        %dma_start3A_80 = tpu.memref_slice %arg12[%dma_start3A_78, %dma_start3A_79] : memref<10240x128xf32, #tpu.memory_space<vmem_shared>> -> memref<10240x128xf32, #tpu.memory_space<vmem_shared>>
        tpu.enqueue_indirect_dma source(%arg9 : memref<128x128xf32, #tpu.memory_space<vmem>>) target(%dma_start3A_80 : memref<10240x128xf32, #tpu.memory_space<vmem_shared>>) offsets(%dma_start3A_77 : memref<128xi32, #tpu.memory_space<vmem>>) semaphore(%run_scoped3A : memref<!tpu.dma_semaphore, #tpu.memory_space<semaphore_mem>>) {add = true}
        %dma_wait3A_81 = arith.constant 0 : i32
        %dma_wait3A_82 = tpu.memref_slice %arg8[%add3A_36, %dma_wait3A_81] : memref<80x128xi32, #tpu.memory_space<vmem>> -> memref<1x128xi32, #tpu.memory_space<vmem>>
        %dma_wait3A_83 = tpu.memref_squeeze %dma_wait3A_82 : memref<1x128xi32, #tpu.memory_space<vmem>> -> memref<128xi32, #tpu.memory_space<vmem>>
        %dma_wait3A_84 = arith.constant 0 : i32
        %dma_wait3A_85 = arith.constant 0 : i32
        %dma_wait3A_86 = tpu.memref_slice %arg12[%dma_wait3A_84, %dma_wait3A_85] : memref<10240x128xf32, #tpu.memory_space<vmem_shared>> -> memref<10240x128xf32, #tpu.memory_space<vmem_shared>>
        tpu.wait_indirect_dma semaphore(%run_scoped3A : memref<!tpu.dma_semaphore, #tpu.memory_space<semaphore_mem>>) src(%arg9 : memref<128x128xf32, #tpu.memory_space<vmem>>) dst(%dma_wait3A_86 : memref<10240x128xf32, #tpu.memory_space<vmem_shared>>)
        tpu.yield
      }) : () -> ()
      %add3A_56 = arith.constant 2 : i32
      %add3A_57 = arith.addi %add3A_36, %add3A_56 : i32
      %lt3A_58 = arith.constant 80 : i32
      %lt3A_59 = arith.cmpi slt, %add3A_57, %lt3A_58 : i32
      %convert_element_type3A_60 = arith.extui %lt3A_59 : i1 to i32
      %cond3A_61 = arith.constant 0 : i32
      %cond3A_62 = arith.cmpi ne, %convert_element_type3A_60, %cond3A_61 : i32
      scf.if %cond3A_62 {
        %add3A_75 = arith.constant 2 : i32
        %add3A_76 = arith.addi %add3A_36, %add3A_75 : i32
        %mul3A_77 = arith.constant 128 : i32
        %mul3A_78 = arith.muli %add3A_76, %mul3A_77 : i32
        %add3A_79 = arith.addi %mul3A_13, %mul3A_78 : i32
        %dma_wait3A_80 = tpu.memref_slice %arg3[%add3A_79] : memref<327680xi32, #tpu.memory_space<hbm>> -> memref<128xi32, #tpu.memory_space<hbm>>
        %dma_wait3A_81 = tpu.memref_slice %arg3[%add3A_79] : memref<327680xi32, #tpu.memory_space<hbm>> -> memref<128xi32, #tpu.memory_space<hbm>>
        tpu.wait_dma2 semaphore(%arg15 : memref<!tpu.dma_semaphore, #tpu.memory_space<semaphore_mem>>) src(%dma_wait3A_81 : memref<128xi32, #tpu.memory_space<hbm>>) dst(%arg6 : memref<128xi32, #tpu.memory_space<vmem>>)
        %dma_start3A_82 = arith.constant 0 : i32
        %dma_start3A_83 = arith.constant 0 : i32
        %dma_start3A_84 = tpu.memref_slice %arg2[%dma_start3A_82, %dma_start3A_83] : memref<10000x128xf32, #tpu.memory_space<hbm>> -> memref<10000x128xf32, #tpu.memory_space<hbm>>
        tpu.enqueue_indirect_dma source(%dma_start3A_84 : memref<10000x128xf32, #tpu.memory_space<hbm>>) target(%arg9 : memref<128x128xf32, #tpu.memory_space<vmem>>) offsets(%arg6 : memref<128xi32, #tpu.memory_space<vmem>>) semaphore(%arg13 : memref<!tpu.dma_semaphore, #tpu.memory_space<semaphore_mem>>)
      } else {
      }
      %dma_wait3A_63 = arith.constant 0 : i32
      %dma_wait3A_64 = arith.constant 0 : i32
      %dma_wait3A_65 = tpu.memref_slice %arg2[%dma_wait3A_63, %dma_wait3A_64] : memref<10000x128xf32, #tpu.memory_space<hbm>> -> memref<10000x128xf32, #tpu.memory_space<hbm>>
      tpu.wait_indirect_dma semaphore(%arg14 : memref<!tpu.dma_semaphore, #tpu.memory_space<semaphore_mem>>) src(%dma_wait3A_65 : memref<10000x128xf32, #tpu.memory_space<hbm>>) dst(%arg10 : memref<128x128xf32, #tpu.memory_space<vmem>>)
      %add3A_66 = arith.constant 3 : i32
      %add3A_67 = arith.addi %add3A_36, %add3A_66 : i32
      %lt3A_68 = arith.constant 80 : i32
      %lt3A_69 = arith.cmpi slt, %add3A_67, %lt3A_68 : i32
      %convert_element_type3A_70 = arith.extui %lt3A_69 : i1 to i32
      %cond3A_71 = arith.constant 0 : i32
      %cond3A_72 = arith.cmpi ne, %convert_element_type3A_70, %cond3A_71 : i32
      scf.if %cond3A_72 {
        %add3A_75 = arith.constant 3 : i32
        %add3A_76 = arith.addi %add3A_36, %add3A_75 : i32
        %mul3A_77 = arith.constant 128 : i32
        %mul3A_78 = arith.muli %add3A_76, %mul3A_77 : i32
        %add3A_79 = arith.addi %mul3A_13, %mul3A_78 : i32
        %dma_start3A_80 = tpu.memref_slice %arg3[%add3A_79] : memref<327680xi32, #tpu.memory_space<hbm>> -> memref<128xi32, #tpu.memory_space<hbm>>
        %dma_start3A_81 = tpu.memref_slice %arg3[%add3A_79] : memref<327680xi32, #tpu.memory_space<hbm>> -> memref<128xi32, #tpu.memory_space<hbm>>
        tpu.enqueue_dma source(%dma_start3A_81 : memref<128xi32, #tpu.memory_space<hbm>>) target(%arg7 : memref<128xi32, #tpu.memory_space<vmem>>) target_semaphore(%arg16 : memref<!tpu.dma_semaphore, #tpu.memory_space<semaphore_mem>>)
      } else {
      }
      %add3A_73 = arith.constant 1 : i32
      %add3A_74 = arith.addi %add3A_36, %add3A_73 : i32
      "tpu.region"() ({
        %run_scoped3A = tpu.sem_alloc : memref<!tpu.dma_semaphore, #tpu.memory_space<semaphore_mem>>
        %dma_start3A_75 = arith.constant 0 : i32
        %dma_start3A_76 = tpu.memref_slice %arg8[%add3A_74, %dma_start3A_75] : memref<80x128xi32, #tpu.memory_space<vmem>> -> memref<1x128xi32, #tpu.memory_space<vmem>>
        %dma_start3A_77 = tpu.memref_squeeze %dma_start3A_76 : memref<1x128xi32, #tpu.memory_space<vmem>> -> memref<128xi32, #tpu.memory_space<vmem>>
        %dma_start3A_78 = arith.constant 0 : i32
        %dma_start3A_79 = arith.constant 0 : i32
        %dma_start3A_80 = tpu.memref_slice %arg12[%dma_start3A_78, %dma_start3A_79] : memref<10240x128xf32, #tpu.memory_space<vmem_shared>> -> memref<10240x128xf32, #tpu.memory_space<vmem_shared>>
        tpu.enqueue_indirect_dma source(%arg10 : memref<128x128xf32, #tpu.memory_space<vmem>>) target(%dma_start3A_80 : memref<10240x128xf32, #tpu.memory_space<vmem_shared>>) offsets(%dma_start3A_77 : memref<128xi32, #tpu.memory_space<vmem>>) semaphore(%run_scoped3A : memref<!tpu.dma_semaphore, #tpu.memory_space<semaphore_mem>>) {add = true}
        %dma_wait3A_81 = arith.constant 0 : i32
        %dma_wait3A_82 = tpu.memref_slice %arg8[%add3A_74, %dma_wait3A_81] : memref<80x128xi32, #tpu.memory_space<vmem>> -> memref<1x128xi32, #tpu.memory_space<vmem>>
        %dma_wait3A_83 = tpu.memref_squeeze %dma_wait3A_82 : memref<1x128xi32, #tpu.memory_space<vmem>> -> memref<128xi32, #tpu.memory_space<vmem>>
        %dma_wait3A_84 = arith.constant 0 : i32
        %dma_wait3A_85 = arith.constant 0 : i32
        %dma_wait3A_86 = tpu.memref_slice %arg12[%dma_wait3A_84, %dma_wait3A_85] : memref<10240x128xf32, #tpu.memory_space<vmem_shared>> -> memref<10240x128xf32, #tpu.memory_space<vmem_shared>>
        tpu.wait_indirect_dma semaphore(%run_scoped3A : memref<!tpu.dma_semaphore, #tpu.memory_space<semaphore_mem>>) src(%arg10 : memref<128x128xf32, #tpu.memory_space<vmem>>) dst(%dma_wait3A_86 : memref<10240x128xf32, #tpu.memory_space<vmem_shared>>)
        tpu.yield
      }) : () -> ()
    }
    %scan3A_24 = arith.constant 40 : i32
    %barrier3A_25 = arith.constant 0 : index
    tpu.barrier barrier_id(%barrier3A_25)
    %lt3A = arith.constant 15 : i32
    %lt3A_26 = arith.cmpi slt, %arg1, %lt3A : i32
    %convert_element_type3A = arith.extui %lt3A_26 : i1 to i32
    %cond3A = arith.constant 0 : i32
    %cond3A_27 = arith.cmpi ne, %convert_element_type3A, %cond3A : i32
    scf.if %cond3A_27 {
      "tpu.region"() ({
        %run_scoped3A = tpu.sem_alloc : memref<!tpu.dma_semaphore, #tpu.memory_space<semaphore_mem>>
        %dma_start3A_32 = arith.constant 0 : i32
        %dma_start3A_33 = tpu.memref_slice %arg5[%arg0, %mul3A_2, %dma_start3A_32] : memref<2x10000x128xf32, #tpu.memory_space<hbm>> -> memref<1x640x128xf32, #tpu.memory_space<hbm>>
        %dma_start3A_34 = tpu.memref_squeeze %dma_start3A_33 : memref<1x640x128xf32, #tpu.memory_space<hbm>> -> memref<640x128xf32, #tpu.memory_space<hbm>>
        %dma_start3A_35 = arith.constant 0 : i32
        %dma_start3A_36 = tpu.memref_slice %arg12[%mul3A_2, %dma_start3A_35] : memref<10240x128xf32, #tpu.memory_space<vmem_shared>> -> memref<640x128xf32, #tpu.memory_space<vmem_shared>>
        tpu.enqueue_dma source(%dma_start3A_36 : memref<640x128xf32, #tpu.memory_space<vmem_shared>>) target(%dma_start3A_34 : memref<640x128xf32, #tpu.memory_space<hbm>>) target_semaphore(%run_scoped3A : memref<!tpu.dma_semaphore, #tpu.memory_space<semaphore_mem>>)
        %dma_wait3A = arith.constant 0 : i32
        %dma_wait3A_37 = tpu.memref_slice %arg5[%arg0, %mul3A_2, %dma_wait3A] : memref<2x10000x128xf32, #tpu.memory_space<hbm>> -> memref<1x640x128xf32, #tpu.memory_space<hbm>>
        %dma_wait3A_38 = tpu.memref_squeeze %dma_wait3A_37 : memref<1x640x128xf32, #tpu.memory_space<hbm>> -> memref<640x128xf32, #tpu.memory_space<hbm>>
        %dma_wait3A_39 = arith.constant 0 : i32
        %dma_wait3A_40 = tpu.memref_slice %arg12[%mul3A_2, %dma_wait3A_39] : memref<10240x128xf32, #tpu.memory_space<vmem_shared>> -> memref<640x128xf32, #tpu.memory_space<vmem_shared>>
        tpu.wait_dma2 semaphore(%run_scoped3A : memref<!tpu.dma_semaphore, #tpu.memory_space<semaphore_mem>>) src(%dma_wait3A_40 : memref<640x128xf32, #tpu.memory_space<vmem_shared>>) dst(%dma_wait3A_38 : memref<640x128xf32, #tpu.memory_space<hbm>>)
        tpu.yield
      }) : () -> ()
    } else {
    }
    %eq3A = arith.constant 15 : i32
    %eq3A_28 = arith.cmpi eq, %arg1, %eq3A : i32
    %convert_element_type3A_29 = arith.extui %eq3A_28 : i1 to i32
    %cond3A_30 = arith.constant 0 : i32
    %cond3A_31 = arith.cmpi ne, %convert_element_type3A_29, %cond3A_30 : i32
    scf.if %cond3A_31 {
      "tpu.region"() ({
        %run_scoped3A = tpu.sem_alloc : memref<!tpu.dma_semaphore, #tpu.memory_space<semaphore_mem>>
        %dma_start3A_32 = arith.constant 0 : i32
        %dma_start3A_33 = tpu.memref_slice %arg5[%arg0, %mul3A_2, %dma_start3A_32] : memref<2x10000x128xf32, #tpu.memory_space<hbm>> -> memref<1x400x128xf32, #tpu.memory_space<hbm>>
        %dma_start3A_34 = tpu.memref_squeeze %dma_start3A_33 : memref<1x400x128xf32, #tpu.memory_space<hbm>> -> memref<400x128xf32, #tpu.memory_space<hbm>>
        %dma_start3A_35 = arith.constant 0 : i32
        %dma_start3A_36 = tpu.memref_slice %arg12[%mul3A_2, %dma_start3A_35] : memref<10240x128xf32, #tpu.memory_space<vmem_shared>> -> memref<400x128xf32, #tpu.memory_space<vmem_shared>>
        tpu.enqueue_dma source(%dma_start3A_36 : memref<400x128xf32, #tpu.memory_space<vmem_shared>>) target(%dma_start3A_34 : memref<400x128xf32, #tpu.memory_space<hbm>>) target_semaphore(%run_scoped3A : memref<!tpu.dma_semaphore, #tpu.memory_space<semaphore_mem>>)
        %dma_wait3A = arith.constant 0 : i32
        %dma_wait3A_37 = tpu.memref_slice %arg5[%arg0, %mul3A_2, %dma_wait3A] : memref<2x10000x128xf32, #tpu.memory_space<hbm>> -> memref<1x400x128xf32, #tpu.memory_space<hbm>>
        %dma_wait3A_38 = tpu.memref_squeeze %dma_wait3A_37 : memref<1x400x128xf32, #tpu.memory_space<hbm>> -> memref<400x128xf32, #tpu.memory_space<hbm>>
        %dma_wait3A_39 = arith.constant 0 : i32
        %dma_wait3A_40 = tpu.memref_slice %arg12[%mul3A_2, %dma_wait3A_39] : memref<10240x128xf32, #tpu.memory_space<vmem_shared>> -> memref<400x128xf32, #tpu.memory_space<vmem_shared>>
        tpu.wait_dma2 semaphore(%run_scoped3A : memref<!tpu.dma_semaphore, #tpu.memory_space<semaphore_mem>>) src(%dma_wait3A_40 : memref<400x128xf32, #tpu.memory_space<vmem_shared>>) dst(%dma_wait3A_38 : memref<400x128xf32, #tpu.memory_space<hbm>>)
        tpu.yield
      }) : () -> ()
    } else {
    }
    return
  }
}

module attributes {stable_mosaic.version = 14 : i64} {
  func.func @_deg_format_body(%arg0: i32, %arg1: memref<2x16x1024xf32, #tpu.memory_space<vmem>>, %arg2: memref<1024x1024xf32, #tpu.memory_space<vmem>>, %arg3: memref<1024x1xf32, #tpu.memory_space<vmem>>) attributes {dimension_semantics = [#tpu.dimension_semantics<arbitrary>], iteration_bounds = array<i64: 10>, scalar_prefetch = 0 : i64, scratch_operands = 0 : i64, tpu.core_type = #tpu.core_type<tc>, window_params = [{transform_indices = @transform_0, window_bounds = array<i64: 2, 16, 1024>}, {pipeline_mode = #tpu.pipeline_mode<synchronous>, transform_indices = @transform_1, window_bounds = array<i64: 1024, 1024>}, {transform_indices = @transform_2, window_bounds = array<i64: 1024, 1>}]} {
    %get3A = arith.constant 0 : index
    %get3A_0 = arith.constant 0 : index
    %get3A_1 = arith.constant 0 : index
    %get3A_2 = vector.load %arg1[%get3A, %get3A_0, %get3A_1] : memref<2x16x1024xf32, #tpu.memory_space<vmem>>, vector<2x16x1024xf32>
    %reshape3A = vector.shape_cast %get3A_2 : vector<2x16x1024xf32> to vector<32x1024xf32>
    %reduce_sum3A = arith.constant dense<0.000000e+00> : vector<1024xf32>
    %reduce_sum3A_3 = vector.multi_reduction <add>, %reshape3A, %reduce_sum3A [0] : vector<32x1024xf32> to vector<1024xf32>
    %broadcast_in_dim3A = vector.shape_cast %reduce_sum3A_3 : vector<1024xf32> to vector<1x1024xf32>
    %get3A_4 = arith.constant 0 : index
    %get3A_5 = arith.constant 0 : index
    %get3A_6 = vector.load %arg2[%get3A_4, %get3A_5] : memref<1024x1024xf32, #tpu.memory_space<vmem>>, vector<1024x1024xf32>
    %dot_general3A = arith.constant dense<0.000000e+00> : vector<1024x1xf32>
    %dot_general3A_7 = tpu.matmul %get3A_6, %broadcast_in_dim3A, %dot_general3A {dimension_numbers = #tpu.dot_dimension_numbers<[1], [1], [0], [0], [0, 0, 1, 0], [], []>, transpose_lhs_hint = false} : vector<1024x1024xf32>, vector<1x1024xf32>, vector<1024x1xf32> -> vector<1024x1xf32>
    %max3A = arith.constant 1.000000e+00 : f32
    %max3A_8 = vector.broadcast %max3A : f32 to vector<1024x1xf32>
    %max3A_9 = arith.maximumf %dot_general3A_7, %max3A_8 : vector<1024x1xf32>
    %rsqrt3A = math.rsqrt %max3A_9 : vector<1024x1xf32>
    %swap3A = arith.constant 0 : index
    %swap3A_10 = arith.constant 0 : index
    %swap3A_11 = vector.load %arg3[%swap3A, %swap3A_10] : memref<1024x1xf32, #tpu.memory_space<vmem>>, vector<1024x1xf32>
    tpu.vector_store %arg3[%swap3A, %swap3A_10], %rsqrt3A {strides = array<i32>} : memref<1024x1xf32, #tpu.memory_space<vmem>>, vector<1024x1xf32>,
    return
  }
  func.func @transform_0(%arg0: i32) -> (i32, i32, i32) {
    %c0_i32 = arith.constant 0 : i32
    %c0_i32_0 = arith.constant 0 : i32
    %c0_i32_1 = arith.constant 0 : i32
    return %c0_i32, %c0_i32_0, %arg0 : i32, i32, i32
  }
  func.func @transform_1(%arg0: i32) -> (i32, i32) {
    %c0_i32 = arith.constant 0 : i32
    %c0_i32_0 = arith.constant 0 : i32
    %c0_i32_1 = arith.constant 0 : i32
    return %c0_i32, %c0_i32_0 : i32, i32
  }
  func.func @transform_2(%arg0: i32) -> (i32, i32) {
    %c0_i32 = arith.constant 0 : i32
    %c0_i32_0 = arith.constant 0 : i32
    return %arg0, %c0_i32 : i32, i32
  }
}

module attributes {stable_mosaic.version = 14 : i64} {
  func.func @_tc_layer_body(%arg0: i32, %arg1: memref<1x1000x128xf32, #tpu.memory_space<vmem>>, %arg2: memref<1x1000x128xf32, #tpu.memory_space<vmem>>, %arg3: memref<1000x1xf32, #tpu.memory_space<vmem>>, %arg4: memref<1000x128xf32, #tpu.memory_space<vmem>>, %arg5: memref<128x128xf32, #tpu.memory_space<vmem>>, %arg6: memref<1x128xf32, #tpu.memory_space<vmem>>, %arg7: memref<1000x128xf32, #tpu.memory_space<vmem>>) attributes {dimension_semantics = [#tpu.dimension_semantics<arbitrary>], iteration_bounds = array<i64: 10>, scalar_prefetch = 0 : i64, scratch_operands = 0 : i64, tpu.core_type = #tpu.core_type<tc>, window_params = [{transform_indices = @transform_0, window_bounds = array<i64: 1, 1000, 128>}, {transform_indices = @transform_1, window_bounds = array<i64: 1, 1000, 128>}, {transform_indices = @transform_2, window_bounds = array<i64: 1000, 1>}, {transform_indices = @transform_3, window_bounds = array<i64: 1000, 128>}, {pipeline_mode = #tpu.pipeline_mode<synchronous>, transform_indices = @transform_4, window_bounds = array<i64: 128, 128>}, {pipeline_mode = #tpu.pipeline_mode<synchronous>, transform_indices = @transform_5, window_bounds = array<i64: 1, 128>}, {transform_indices = @transform_6, window_bounds = array<i64: 1000, 128>}]} {
    %get3A = arith.constant 0 : index
    %get3A_0 = arith.constant 0 : index
    %get3A_1 = arith.constant 0 : index
    %get3A_2 = vector.load %arg1[%get3A, %get3A_0, %get3A_1] : memref<1x1000x128xf32, #tpu.memory_space<vmem>>, vector<1x1000x128xf32>
    %get3A_3 = vector.shape_cast %get3A_2 : vector<1x1000x128xf32> to vector<1000x128xf32>
    %get3A_4 = arith.constant 0 : index
    %get3A_5 = arith.constant 0 : index
    %get3A_6 = arith.constant 0 : index
    %get3A_7 = vector.load %arg2[%get3A_4, %get3A_5, %get3A_6] : memref<1x1000x128xf32, #tpu.memory_space<vmem>>, vector<1x1000x128xf32>
    %get3A_8 = vector.shape_cast %get3A_7 : vector<1x1000x128xf32> to vector<1000x128xf32>
    %add3A = arith.addf %get3A_3, %get3A_8 : vector<1000x128xf32>
    %get3A_9 = arith.constant 0 : index
    %get3A_10 = arith.constant 0 : index
    %get3A_11 = vector.load %arg4[%get3A_9, %get3A_10] : memref<1000x128xf32, #tpu.memory_space<vmem>>, vector<1000x128xf32>
    %add3A_12 = arith.addf %add3A, %get3A_11 : vector<1000x128xf32>
    %get3A_13 = arith.constant 0 : index
    %get3A_14 = arith.constant 0 : index
    %get3A_15 = vector.load %arg3[%get3A_13, %get3A_14] : memref<1000x1xf32, #tpu.memory_space<vmem>>, vector<1000x1xf32>
    %mul3A = vector.broadcast %get3A_15 : vector<1000x1xf32> to vector<1000x128xf32>
    %mul3A_16 = arith.mulf %add3A_12, %mul3A : vector<1000x128xf32>
    %get3A_17 = arith.constant 0 : index
    %get3A_18 = arith.constant 0 : index
    %get3A_19 = vector.load %arg5[%get3A_17, %get3A_18] : memref<128x128xf32, #tpu.memory_space<vmem>>, vector<128x128xf32>
    %dot_general3A = arith.constant dense<0.000000e+00> : vector<1000x128xf32>
    %dot_general3A_20 = tpu.matmul %mul3A_16, %get3A_19, %dot_general3A {dimension_numbers = #tpu.dot_dimension_numbers<[1], [1], [0], [0], [0, 0, 1, 0], [], []>, transpose_lhs_hint = false} : vector<1000x128xf32>, vector<128x128xf32>, vector<1000x128xf32> -> vector<1000x128xf32>
    %get3A_21 = arith.constant 0 : index
    %get3A_22 = arith.constant 0 : index
    %get3A_23 = vector.load %arg6[%get3A_21, %get3A_22] : memref<1x128xf32, #tpu.memory_space<vmem>>, vector<1x128xf32>
    %add3A_24 = vector.broadcast %get3A_23 : vector<1x128xf32> to vector<1000x128xf32>
    %add3A_25 = arith.addf %dot_general3A_20, %add3A_24 : vector<1000x128xf32>
    %logistic3A = arith.negf %add3A_25 : vector<1000x128xf32>
    %logistic3A_26 = math.exp %logistic3A : vector<1000x128xf32>
    %logistic3A_27 = arith.constant 1.000000e+00 : f32
    %logistic3A_28 = vector.broadcast %logistic3A_27 : f32 to vector<1000x128xf32>
    %logistic3A_29 = arith.addf %logistic3A_28, %logistic3A_26 : vector<1000x128xf32>
    %logistic3A_30 = arith.divf %logistic3A_28, %logistic3A_29 : vector<1000x128xf32>
    %swap3A = arith.constant 0 : index
    %swap3A_31 = arith.constant 0 : index
    %swap3A_32 = vector.load %arg7[%swap3A, %swap3A_31] : memref<1000x128xf32, #tpu.memory_space<vmem>>, vector<1000x128xf32>
    tpu.vector_store %arg7[%swap3A, %swap3A_31], %logistic3A_30 {strides = array<i32>} : memref<1000x128xf32, #tpu.memory_space<vmem>>, vector<1000x128xf32>,
    return
  }
  func.func @transform_0(%arg0: i32) -> (i32, i32, i32) {
    %c0_i32 = arith.constant 0 : i32
    %c0_i32_0 = arith.constant 0 : i32
    %c0_i32_1 = arith.constant 0 : i32
    return %c0_i32, %arg0, %c0_i32_0 : i32, i32, i32
  }
  func.func @transform_1(%arg0: i32) -> (i32, i32, i32) {
    %c1_i32 = arith.constant 1 : i32
    %c0_i32 = arith.constant 0 : i32
    %c0_i32_0 = arith.constant 0 : i32
    return %c1_i32, %arg0, %c0_i32 : i32, i32, i32
  }
  func.func @transform_2(%arg0: i32) -> (i32, i32) {
    %c0_i32 = arith.constant 0 : i32
    %c0_i32_0 = arith.constant 0 : i32
    return %arg0, %c0_i32 : i32, i32
  }
  func.func @transform_3(%arg0: i32) -> (i32, i32) {
    %c0_i32 = arith.constant 0 : i32
    %c0_i32_0 = arith.constant 0 : i32
    return %arg0, %c0_i32 : i32, i32
  }
  func.func @transform_4(%arg0: i32) -> (i32, i32) {
    %c0_i32 = arith.constant 0 : i32
    %c0_i32_0 = arith.constant 0 : i32
    %c0_i32_1 = arith.constant 0 : i32
    return %c0_i32, %c0_i32_0 : i32, i32
  }
  func.func @transform_5(%arg0: i32) -> (i32, i32) {
    %c0_i32 = arith.constant 0 : i32
    %c0_i32_0 = arith.constant 0 : i32
    %c0_i32_1 = arith.constant 0 : i32
    return %c0_i32, %c0_i32_0 : i32, i32
  }
  func.func @transform_6(%arg0: i32) -> (i32, i32) {
    %c0_i32 = arith.constant 0 : i32
    %c0_i32_0 = arith.constant 0 : i32
    return %arg0, %c0_i32 : i32, i32
  }
}

module attributes {stable_mosaic.version = 14 : i64} {
  func.func @_tc_layer_body(%arg0: i32, %arg1: memref<1x1000x128xf32, #tpu.memory_space<vmem>>, %arg2: memref<1x1000x128xf32, #tpu.memory_space<vmem>>, %arg3: memref<1000x1xf32, #tpu.memory_space<vmem>>, %arg4: memref<1000x128xf32, #tpu.memory_space<vmem>>, %arg5: memref<128x128xf32, #tpu.memory_space<vmem>>, %arg6: memref<1x128xf32, #tpu.memory_space<vmem>>, %arg7: memref<1000x128xf32, #tpu.memory_space<vmem>>) attributes {dimension_semantics = [#tpu.dimension_semantics<arbitrary>], iteration_bounds = array<i64: 10>, scalar_prefetch = 0 : i64, scratch_operands = 0 : i64, tpu.core_type = #tpu.core_type<tc>, window_params = [{transform_indices = @transform_0, window_bounds = array<i64: 1, 1000, 128>}, {transform_indices = @transform_1, window_bounds = array<i64: 1, 1000, 128>}, {transform_indices = @transform_2, window_bounds = array<i64: 1000, 1>}, {transform_indices = @transform_3, window_bounds = array<i64: 1000, 128>}, {pipeline_mode = #tpu.pipeline_mode<synchronous>, transform_indices = @transform_4, window_bounds = array<i64: 128, 128>}, {pipeline_mode = #tpu.pipeline_mode<synchronous>, transform_indices = @transform_5, window_bounds = array<i64: 1, 128>}, {transform_indices = @transform_6, window_bounds = array<i64: 1000, 128>}]} {
    %get3A = arith.constant 0 : index
    %get3A_0 = arith.constant 0 : index
    %get3A_1 = arith.constant 0 : index
    %get3A_2 = vector.load %arg1[%get3A, %get3A_0, %get3A_1] : memref<1x1000x128xf32, #tpu.memory_space<vmem>>, vector<1x1000x128xf32>
    %get3A_3 = vector.shape_cast %get3A_2 : vector<1x1000x128xf32> to vector<1000x128xf32>
    %get3A_4 = arith.constant 0 : index
    %get3A_5 = arith.constant 0 : index
    %get3A_6 = arith.constant 0 : index
    %get3A_7 = vector.load %arg2[%get3A_4, %get3A_5, %get3A_6] : memref<1x1000x128xf32, #tpu.memory_space<vmem>>, vector<1x1000x128xf32>
    %get3A_8 = vector.shape_cast %get3A_7 : vector<1x1000x128xf32> to vector<1000x128xf32>
    %add3A = arith.addf %get3A_3, %get3A_8 : vector<1000x128xf32>
    %get3A_9 = arith.constant 0 : index
    %get3A_10 = arith.constant 0 : index
    %get3A_11 = vector.load %arg4[%get3A_9, %get3A_10] : memref<1000x128xf32, #tpu.memory_space<vmem>>, vector<1000x128xf32>
    %add3A_12 = arith.addf %add3A, %get3A_11 : vector<1000x128xf32>
    %get3A_13 = arith.constant 0 : index
    %get3A_14 = arith.constant 0 : index
    %get3A_15 = vector.load %arg3[%get3A_13, %get3A_14] : memref<1000x1xf32, #tpu.memory_space<vmem>>, vector<1000x1xf32>
    %mul3A = vector.broadcast %get3A_15 : vector<1000x1xf32> to vector<1000x128xf32>
    %mul3A_16 = arith.mulf %add3A_12, %mul3A : vector<1000x128xf32>
    %get3A_17 = arith.constant 0 : index
    %get3A_18 = arith.constant 0 : index
    %get3A_19 = vector.load %arg5[%get3A_17, %get3A_18] : memref<128x128xf32, #tpu.memory_space<vmem>>, vector<128x128xf32>
    %dot_general3A = arith.constant dense<0.000000e+00> : vector<1000x128xf32>
    %dot_general3A_20 = tpu.matmul %mul3A_16, %get3A_19, %dot_general3A {dimension_numbers = #tpu.dot_dimension_numbers<[1], [1], [0], [0], [0, 0, 1, 0], [], []>, transpose_lhs_hint = false} : vector<1000x128xf32>, vector<128x128xf32>, vector<1000x128xf32> -> vector<1000x128xf32>
    %get3A_21 = arith.constant 0 : index
    %get3A_22 = arith.constant 0 : index
    %get3A_23 = vector.load %arg6[%get3A_21, %get3A_22] : memref<1x128xf32, #tpu.memory_space<vmem>>, vector<1x128xf32>
    %add3A_24 = vector.broadcast %get3A_23 : vector<1x128xf32> to vector<1000x128xf32>
    %add3A_25 = arith.addf %dot_general3A_20, %add3A_24 : vector<1000x128xf32>
    %swap3A = arith.constant 0 : index
    %swap3A_26 = arith.constant 0 : index
    %swap3A_27 = vector.load %arg7[%swap3A, %swap3A_26] : memref<1000x128xf32, #tpu.memory_space<vmem>>, vector<1000x128xf32>
    tpu.vector_store %arg7[%swap3A, %swap3A_26], %add3A_25 {strides = array<i32>} : memref<1000x128xf32, #tpu.memory_space<vmem>>, vector<1000x128xf32>,
    return
  }
  func.func @transform_0(%arg0: i32) -> (i32, i32, i32) {
    %c0_i32 = arith.constant 0 : i32
    %c0_i32_0 = arith.constant 0 : i32
    %c0_i32_1 = arith.constant 0 : i32
    return %c0_i32, %arg0, %c0_i32_0 : i32, i32, i32
  }
  func.func @transform_1(%arg0: i32) -> (i32, i32, i32) {
    %c1_i32 = arith.constant 1 : i32
    %c0_i32 = arith.constant 0 : i32
    %c0_i32_0 = arith.constant 0 : i32
    return %c1_i32, %arg0, %c0_i32 : i32, i32, i32
  }
  func.func @transform_2(%arg0: i32) -> (i32, i32) {
    %c0_i32 = arith.constant 0 : i32
    %c0_i32_0 = arith.constant 0 : i32
    return %arg0, %c0_i32 : i32, i32
  }
  func.func @transform_3(%arg0: i32) -> (i32, i32) {
    %c0_i32 = arith.constant 0 : i32
    %c0_i32_0 = arith.constant 0 : i32
    return %arg0, %c0_i32 : i32, i32
  }
  func.func @transform_4(%arg0: i32) -> (i32, i32) {
    %c0_i32 = arith.constant 0 : i32
    %c0_i32_0 = arith.constant 0 : i32
    %c0_i32_1 = arith.constant 0 : i32
    return %c0_i32, %c0_i32_0 : i32, i32
  }
  func.func @transform_5(%arg0: i32) -> (i32, i32) {
    %c0_i32 = arith.constant 0 : i32
    %c0_i32_0 = arith.constant 0 : i32
    %c0_i32_1 = arith.constant 0 : i32
    return %c0_i32, %c0_i32_0 : i32, i32
  }
  func.func @transform_6(%arg0: i32) -> (i32, i32) {
    %c0_i32 = arith.constant 0 : i32
    %c0_i32_0 = arith.constant 0 : i32
    return %arg0, %c0_i32 : i32, i32
  }
}

</mosaic_0001>

<sc_bundles>
// kernel: kernel.11.cloned.1.call-start
scs
__scs_entry_jumppad:
0x0: {  	(pc) =	sbr.rel $0x88, $3  }
0x1: {  	(tag) =	ssettag $0x0;
	lr =	simm.s32 $0x1  }
0x2: {  	[smem:$0x3F9B] =	sst lr;
	_ =	strace $0xD0000000  }
0x3: {  	_ = 	snop  }
0x4: {  	_ = 	snop  }
0x5: {  	_ = 	snop  }
0x6: {  	_ = 	snop  }
0x7: {  	_ = 	snop  }
__scs_overlays_trampoline_lowered:
0x8: {  	[smem:$0x3FAA] =	sst s0  }
0x9: {  	[smem:$0x3FAB] =	sst s1  }
0xa: {  	[smem:$0x3FAC] =	sst s2  }
0xb: {  	[smem:$0x3FAD] =	sst s3  }
0xc: {  	[smem:$0x3FAE] =	sst s4  }
0xd: {  	[smem:$0x3FAF] =	sst s5  }
0xe: {  	[smem:$0x3FB0] =	sst s6  }
0xf: {  	[smem:$0x3FB1] =	sst s7  }
0x10: {  	[smem:$0x3FB2] =	sst s8  }
0x11: {  	[smem:$0x3FB3] =	sst s9;
	s0 =	simm.s32 @!p0 $0x0  }
0x12: {  	s1 =	sld [smem:$0x3F99];
	s0 =	simm.s32 @p0 $0x1  }
0x13: {  	[smem:$0x3FB4] =	sst s0;
	s0 =	simm.s32 @!p1 $0x0  }
0x14: {  	s2 =	sld [smem:$0x3F98];
	s0 =	simm.s32 @p1 $0x1  }
0x15: {  	[smem:$0x3FB5] =	sst s0;
	s0 =	simm.s32 @!p2 $0x0  }
0x16: {  	s3 =	sld [smem:$0x3FDB];
	s0 =	simm.s32 @p2 $0x1  }
0x17: {  	s4 =	simm.s32 $0x1BF5;
	[smem:$0x3FB7] =	sst s0  }
0x18: {  	s0 =	sld [smem:$0x3F9A];
	_ =	swait.ge [sflag:s4], $0x0  }
0x19: {  	s7 =	sld [smem:$0x3F9B]  }
0x1a: {  	s8 =	sadd.s32 $0xFFFFE003, lr  }
0x1b: {  	s9 =	sadd.s32 $0xFFFFFEF7, lr;
	s5 =	simm.s32 $0xFFFFFFFF;
	p2 =	slt.u32 s8, $0xFFFFF086  }
0x1c: {  	p1 =	slt.u32 s9, $0xF7A;
	s5 =	simm.s32 @!p2 $0x0  }
0x1d: {  	s5 =	simm.s32 @p1 $0x1;
	p0 =	seq.s32 s7, s2  }
0x1e: {  	s7 =	smul.u32 @!p0 $0xF7A, s2;
	p2 =	seq.s32 @!p0 s5, $0x0  }
0x1f: {  	s9 =	smul.u32 $0xF7A, s1;
	s8 =	simm.s32 @!p0 $0x1BF5;
	p2 =	por !p2, p0  }
0x20: {  	[sflag:s8] =	ssyncset.s32 @!p0 $0xFFFFF086;
	s6 =	sadd.s32 @!p0 s3, s7;
	s7 =	simm.s32 @!p0 $0x108  }
0x21: {  	s3 =	sadd.s32 s3, s9;
	s6 =	sadd.s32 @!p0 $0x88, s6;
	s7 =	simm.s32 @p2 $0x1082  }
0x22: {  	[simem:s7], [sflag:s8] =	dma.local @!p0 [hbm:s6], $0xF7A  }
0x23: {  	s9 =	sor.u32 $0xD0000000, s2;
	s6 =	simm.s32 $0x108;
	_ =	swait.ge @!p0 [sflag:s8], $0x0  }
0x24: {  	s3 =	sadd.s32 $0x88, s3;
	s6 =	simm.s32 @!p1 $0x1082;
	[sflag:s4] =	ssyncset.s32 $0xFFFFF086  }
0x25: {  	[simem:s6], [sflag:s4] =	dma.local [hbm:s3], $0xF7A  }
0x26: {  	[smem:$0x3F9B] =	sst s1;
	(tag) =	ssettag s2;
	_ =	strace s9  }
0x27: {  	s1 =	sld [smem:$0x3FAB]  }
0x28: {  	s2 =	sld [smem:$0x3FAC]  }
0x29: {  	s4 =	sld [smem:$0x3FAE]  }
0x2a: {  	p0 =	seq.s32 s5, $0x0;
	s5 =	sld [smem:$0x3FAF]  }
0x2b: {  	s6 =	sld [smem:$0x3FB0]  }
0x2c: {  	s7 =	sld [smem:$0x3FB1]  }
0x2d: {  	s3 =	simm.s32 $0x108;
	s8 =	sld [smem:$0x3FB2]  }
0x2e: {  	s3 =	simm.s32 @!p0 $0x1082;
	s9 =	sld [smem:$0x3FB3]  }
0x2f: {  	lr =	sadd.s32 s0, s3;
	s0 =	sld [smem:$0x3FAA]  }
0x30: {  	s3 =	sld [smem:$0x3FAD]  }
0x31: {  	[smem:$0x3FB6] =	sst s10  }
0x32: {  	s10 =	sld [smem:$0x3FB4];
	_ =	sdelay $0x3  }
0x33: {  	p0 =	seq.s32 s10, $0x1;
	s10 =	sld [smem:$0x3FB6];
	_ =	sdelay $0x3  }
0x34: {  	[smem:$0x3FB6] =	sst s10  }
0x35: {  	s10 =	sld [smem:$0x3FB5];
	_ =	sdelay $0x3  }
0x36: {  	p1 =	seq.s32 s10, $0x1;
	s10 =	sld [smem:$0x3FB6];
	_ =	sdelay $0x3  }
0x37: {  	[smem:$0x3FB6] =	sst s10  }
0x38: {  	s10 =	sld [smem:$0x3FB7]  }
0x39: {  	_ = 	snop;
	(pc) =	sbr.ind lr, $3  }
0x3a: {  	_ = 	snop  }
0x3b: {  	_ = 	snop  }
0x3c: {  	p2 =	seq.s32 s10, $0x1;
	s10 =	sld [smem:$0x3FB6]  }
0x3d: {  	_ =	shalt  }
0x3e: {  	_ =	shalt  }
0x3f: {  	_ =	shalt  }
0x40: {  	_ =	shalt  }
0x41: {  	_ =	shalt  }
0x42: {  	_ =	shalt  }
0x43: {  	_ =	shalt  }
0x44: {  	_ =	shalt  }
0x45: {  	_ =	shalt  }
0x46: {  	_ =	shalt  }
0x47: {  	_ =	shalt  }
0x48: {  	_ =	shalt  }
0x49: {  	_ =	shalt  }
0x4a: {  	_ =	shalt  }
0x4b: {  	_ =	shalt  }
0x4c: {  	_ =	shalt  }
0x4d: {  	_ =	shalt  }
0x4e: {  	_ =	shalt  }
0x4f: {  	_ =	shalt  }
0x50: {  	_ =	shalt  }
0x51: {  	_ =	shalt  }
0x52: {  	_ =	shalt  }
0x53: {  	_ =	shalt  }
0x54: {  	_ =	shalt  }
0x55: {  	_ =	shalt  }
0x56: {  	_ =	shalt  }
0x57: {  	_ =	shalt  }
0x58: {  	_ =	shalt  }
0x59: {  	_ =	shalt  }
0x5a: {  	_ =	shalt  }
0x5b: {  	_ =	shalt  }
0x5c: {  	_ =	shalt  }
0x5d: {  	_ =	shalt  }
0x5e: {  	_ =	shalt  }
0x5f: {  	_ =	shalt  }
0x60: {  	_ =	shalt  }
0x61: {  	_ =	shalt  }
0x62: {  	_ =	shalt  }
0x63: {  	_ =	shalt  }
0x64: {  	_ =	shalt  }
0x65: {  	_ =	shalt  }
0x66: {  	_ =	shalt  }
0x67: {  	_ =	shalt  }
0x68: {  	_ =	shalt  }
0x69: {  	_ =	shalt  }
0x6a: {  	_ =	shalt  }
0x6b: {  	_ =	shalt  }
0x6c: {  	_ =	shalt  }
0x6d: {  	_ =	shalt  }
0x6e: {  	_ =	shalt  }
0x6f: {  	_ =	shalt  }
0x70: {  	_ =	shalt  }
0x71: {  	_ =	shalt  }
0x72: {  	_ =	shalt  }
0x73: {  	_ =	shalt  }
0x74: {  	_ =	shalt  }
0x75: {  	_ =	shalt  }
0x76: {  	_ =	shalt  }
0x77: {  	_ =	shalt  }
0x78: {  	_ =	shalt  }
0x79: {  	_ =	shalt  }
0x7a: {  	_ =	shalt  }
0x7b: {  	_ =	shalt  }
0x7c: {  	_ =	shalt  }
0x7d: {  	_ =	shalt  }
0x7e: {  	_ =	shalt  }
0x7f: {  	_ =	shalt  }
0x80: {  	_ =	shalt  }
0x81: {  	_ =	shalt  }
0x82: {  	_ =	shalt  }
0x83: {  	_ =	shalt  }
0x84: {  	_ =	shalt  }
0x85: {  	_ =	shalt  }
0x86: {  	_ =	shalt  }
0x87: {  	_ =	shalt  }
.Lfunc_end0:
.L_simem_size_0:
called_computation.1_lowered:
.L_overlay_start_0:
0x88: {  	s2 =	sld [smem:$0x3FD9]  }
0x89: {  	s3 =	sld [smem:$0x3FFE];
	_ =	sdelay $0x1  }
0x8a: {  	s1 =	srdreg.scid  }
0x8b: {  	s0 =	sand.u32 $0x1, s1  }
0x8c: {  	s17 =	sshll.u32 s0, $0xA;
	s2 =	sadd.s32 s3, s2  }
0x8d: {  	s2 =	sadd.s32 s2, s17  }
0x8e: {  	[smem:$0x3FC2] =	sst s2  }
0x8f: {  	_ = 	snop  }
0x90: {  	s18 =	sld [smem:$0x3FC9];
	(tm) =	ssettm $0x1  }
0x91: {  	s19 =	sld [smem:$0x3FFB];
	_ =	sdelay $0x3  }
0x92: {  	_ =	strace s19  }
0x93: {  	s2 =	sld [smem:$0x3FFC];
	_ =	sdelay $0x3  }
0x94: {  	_ =	strace s2  }
0x95: {  	s2 =	sld [smem:$0x3FFD];
	_ =	sdelay $0x3  }
0x96: {  	_ =	strace s2  }
0x97: {  	_ =	strace $0x8FFFFFFF  }
0x98: {  	s20 =	sld [smem:$0x3FDB];
	_ =	sdelay $0x1  }
0x99: {  	s4 =	simm.s32 $_scs_section_size  }
0x9a: {  	s5 =	simm.s32 $_size__tile_overlayer_lowered;
	s6 =	simm.s32 $_tile_overlayer_lowered  }
0x9b: {  	s7 =	simm.s32 $0x1BFF;
	s21 =	sshll.u32 s6, $0x1;
	s4 =	sadd.s32 s4, s20  }
0x9c: {  	s22 =	simm.s32 $0x0;
	s5 =	sshll.u32 s5, $0x1;
	s6 =	sadd.s32 s21, s4  }
0x9d: {  	[timem:s22], [sflag:s7] =	dma.local [hbm:s6], s5  }
0x9e: {  	_ =	swait.ge [sflag:s7], s5  }
0x9f: {  	s5 =	ssub.s32 $0x0, s5;
	[sflag:s7] =	ssyncset.done $0x0  }
0xa0: {  	[sflag:s7] =	ssyncadd.s32 s5;
	_ =	sdelay $0x1  }
0xa1: {  	s23 =	simm.s32 $0x1B8B  }
0xa2: {  	_ =	swait.ge [sflag:s23], $0x1  }
0xa3: {  	[sflag:s23] =	ssyncset.done $0x0  }
0xa4: {  	[sflag:s23] =	ssyncadd.s32 $0xFFFFFFFF  }
0xa5: {  	s5 =	sld [smem:$0x0]  }
0xa6: {  	s6 =	sand.u32 $0xFFFFFFFE, s1  }
0xa7: {  	p0 =	sne.s32 s1, s6  }
0xa8: {  	s6 =	sshll.u32 @p0 s6, $0xE  }
0xa9: {  	s6 =	sadd.s32 @p0 $0x11B8D, s6;
	s7 =	sshll.u32 @p0 s5, $0x11  }
0xaa: {  	s6 =	sor.u32 @p0 s7, s6  }
0xab: {  	[sflag:s6] =	ssyncadd.remote.s32 @p0 $0x1;
	_ =	sdelay $0x1  }
0xac: {  	s6 =	simm.s32 @p0 $0x1B8D  }
0xad: {  	_ =	swait.eq @p0 [sflag:s6], $0x1  }
0xae: {  	[sflag:s6] =	ssyncadd.s32 @p0 $0xFFFFFFFF  }
0xaf: {  	s7 =	sshll.u32 @!p0 s1, $0xE  }
0xb0: {  	s7 =	sor.u32 @!p0 $0x4000, s7;
	s6 =	simm.s32 @!p0 $0x1B8D  }
0xb1: {  	s5 =	sshll.u32 @!p0 s5, $0x11;
	s7 =	sadd.s32 @!p0 $0x11B8D, s7;
	_ =	swait.eq @!p0 [sflag:s6], $0x1  }
0xb2: {  	s5 =	sor.u32 @!p0 s5, s7;
	[sflag:s6] =	ssyncadd.s32 @!p0 $0xFFFFFFFF  }
0xb3: {  	s25 =	simm.s32 $0x1B8E;
	s24 =	sld [smem:$0x3FFE];
	[sflag:s5] =	ssyncadd.remote.s32 @!p0 $0x1  }
0xb4: {  	s26 =	simm.s32 $execute0_lowered;
	[smem:$0x3FD2] =	sst s25  }
0xb5: {  	s6 =	sshll.u32 s26, $0x1;
	_ =	strace $0x80000049;
	[dreg:$0x1] =	wrdreg $0xFFFFFFFF  }
0xb6: {  	s28 =	simm.s32 $_size_execute0_lowered;
	s4 =	sadd.s32 s4, s6;
	[dreg:$0x0] =	wrdreg $0x0  }
0xb7: {  	s6 =	sshll.u32 s28, $0x1;
	[dreg:$0x2] =	wrdreg s4  }
0xb8: {  	[dreg:$0x3] =	wrdreg s6  }
0xb9: {  	[dreg:$0x4] =	wrdreg $0xC0  }
0xba: {  	_ =	task [dreg:s22], $0x5FFFF  }
0xbb: {  	[dreg:$0x1] =	wrdreg $0xFFFFFFFF  }
0xbc: {  	[dreg:$0x0] =	wrdreg $0x60  }
0xbd: {  	[dreg:$0x2] =	wrdreg s18  }
0xbe: {  	[dreg:$0x3] =	wrdreg s24  }
0xbf: {  	[dreg:$0x4] =	wrdreg $0xBD000  }
0xc0: {  	[dreg:$0x5] =	wrdreg $0xA  }
0xc1: {  	_ =	task.clear_ibuf [dreg:s22], $0x6FFFF;
	_ =	strace $0x90000049  }
0xc2: {  	s29 =	simm.s32 $0xA;
	_ =	strace $0x8000004B  }
0xc3: {  	_ =	swait.ge [sflag:s29], $0x1  }
0xc4: {  	[sflag:s29] =	ssyncadd.s32 $0xFFFFFFFF  }
0xc5: {  	_ =	strace $0x9000004B  }
0xc6: {  	_ =	sfence  }
0xc7: {  	s30 =	sld [smem:$0x0];
	_ =	sdelay $0x2  }
0xc8: {  	s31 =	sshll.u32 s1, $0xD;
	s1 =	sshrl.u32 s1, $0x2  }
0xc9: {  	s4 =	sand.u32 $0x4000, s31;
	s1 =	sadd.s32 s1, s30  }
0xca: {  	s0 =	sor.u32 s4, s0;
	s1 =	sshll.u32 s1, $0x11  }
0xcb: {  	s0 =	sor.u32 s1, s0  }
0xcc: {  	s0 =	sadd.s32 $0x8F2B, s0  }
0xcd: {  	[sflag:s0] =	ssyncadd.remote.s32 $0x1  }
0xce: {  	_ =	sfence.sel $0xFFFF  }
0xcf: {  	[dreg:$0x0] =	wrdreg $0xFFFFFFFF;
	(pc) =	sbr.abs _section_cstart, $3  }
0xd0: {  	[dreg:$0x1] =	wrdreg $0xFFFFFFFF  }
0xd1: {  	_ =	task.clear_ibuf [dreg:s22], $0x2FFFF;
	_ =	strace $0x9FFFFFFF  }
0xd2: {  	(tm) =	ssettm $0x7FFFFFFF  }
0xd3: {  	_ =	shalt  }
tec
execute0_lowered:
.L_overlay_start_1:
0x0: {  	(tag) =	ssettag $0x1  }
0x1: {  	s0 =	srdreg.scid  }
0x2: {  	s1 =	rddreg [dreg:$0x0];
	s12 =	stileid.u32  }
0x3: {  	s2 =	rddreg [dreg:$0x1];
	s11 =	smul.u32 $0x14000, s12  }
0x4: {  	s3 =	rddreg [dreg:$0x2];
	s16 =	smul.u32 $0x50000, s12  }
0x5: {  	s31 =	simm.s32 $0xA900;
	s0 =	sand.u32 $0x1, s0;
	s22 =	smul.u32 $0x2800, s12  }
0x6: {  	s6 =	sadd.s32 $0x2000, s2;
	p0 =	seq.s32 s12, $0xF;
	s9 =	smul.u32 $0x138800, s0  }
0x7: {  	s4 =	sshll.u32 s0, $0x4;
	s8 =	ssub.s32 $0x2, s0;
	s0 =	smul.u32 $0x28000, s0  }
0x8: {  	s5 =	sor.u32 s12, s4;
	s4 =	simm.s32 $0x0;
	s10 =	sshrl.u32 s8, $0x1  }
0x9: {  	s12 =	simm.s32 $0x0;
	s5 =	smul.u32 $0x2800, s5;
	[smem:$0x7FF] =	sst s4  }
0xa: {  	s8 =	ssub.s32 s8, s10;
	s18 =	sadd.s32 s11, s9;
	s19 =	sshrl.u32 s9, $0x3  }
0xb: {  	s0 =	sadd.s32 s22, s0;
	s10 =	simm.s32 $0x3;
	s11 =	simm.s32 $0x2  }
0xc: {  	_ =	strace $0x8000004A;
	s20 =	smax.u32 s8, $0x1;
	s5 =	sshrl.u32 s5, $0x3  }
0xd: {  	s8 =	simm.s32 $0x4;
	[dreg:$0x9] =	wrdreg s20;
	s7 =	sadd.s32 s5, s2  }
0xe: {  	s2 =	sadd.s32 $0x20000, s2;
	s15 =	sadd.s32 s6, s5;
	s5 =	sshrl.u32 s16, $0x2  }
0xf: {  	s7 =	sadd.s32 $0xC000, s7;
	[dreg:$0x4] =	wrdreg s15;
	s17 =	sadd.s32 $0x10, s15  }
0x10: {  	s9 =	sadd.s32 s5, s3;
	s5 =	sor.u32 $0x180, s0;
	[dreg:$0x5] =	wrdreg s7  }
0x11: {  	s0 =	sor.u32 $0x100, s0;
	[dreg:$0x6] =	wrdreg s17;
	s7 =	sshrl.u32 s18, $0x3  }
0x12: {  	s21 =	sadd.s32 $0x1400, s9;
	s23 =	sadd.s32 $0x2800, s9;
	s24 =	sadd.s32 $0x3C00, s9  }
0x13: {  	s25 =	sadd.s32 $0x5000, s9;
	s26 =	sadd.s32 $0x6400, s9;
	s17 =	sadd.s32 $0x7800, s9  }
0x14: {  	s18 =	sadd.s32 $0x8C00, s9;
	s20 =	sadd.s32 $0xB400, s9;
	[dreg:$0xa] =	wrdreg s21  }
0x15: {  	s5 =	sshrl.u32 s5, $0x3;
	s0 =	sshrl.u32 s0, $0x3;
	[dreg:$0xb] =	wrdreg s23  }
0x16: {  	s28 =	sadd.s32 $0x10400, s9;
	s29 =	sadd.s32 $0x11800, s9;
	[dreg:$0xc] =	wrdreg s24  }
0x17: {  	s30 =	sadd.s32 $0x12C00, s9;
	s7 =	sadd.s32 s2, s7;
	[dreg:$0xd] =	wrdreg s25  }
0x18: {  	s2 =	sadd.s32 s2, s19;
	[dreg:$0xe] =	wrdreg s26;
	s19 =	sadd.s32 $0xA000, s9  }
0x19: {  	s21 =	sadd.s32 $0xC800, s9;
	s22 =	sadd.s32 s5, s6;
	s23 =	sadd.s32 s0, s6  }
0x1a: {  	s24 =	sadd.s32 $0xDC00, s9;
	s26 =	sadd.s32 $0xF000, s9;
	s0 =	simm.s32 $0x5  }
0x1b: {  	s6 =	simm.s32 $0x80;
	[dreg:$0x7] =	wrdreg s7;
	s2 =	sadd.s32 $0x25800, s2  }
0x1c: {  	s5 =	simm.s32 $0x6900;
	[dreg:$0x8] =	wrdreg s2;
	s2 =	sadd.s32 $0x12C000, s3  }
0x1d: {  	v0 =	vimm.f32 $0.0e+00;
	s7 =	simm.s32 $0x2900;
	s25 =	sshrl.u32 @p0 s2, $0x3;
	s2 =	simm.s32 $0x1  }
.LBB2_1:
0x1e: {  	s13 =	sand.u32 $0x7E00, s4  }
0x1f: {  	s14 =	sand.u32 $0x70, s4;
	s15 =	sshrl.u32 s13, $0x2  }
0x20: {  	s13 =	simm.s32 $0x40;
	s15 =	sor.u32 s14, s15;
	s14 =	simm.s32 $0x0  }
.LBB2_2:
0x21: {  	p1 =	sne.s32 s13, $0x4FC0  }
0x22: {  	[tilespmem:s15+$0xA900] =	vst v0;
	s14 =	sadd.s32 $0x10, s14;
	s15 =	smov.u32 s13;
	s13 =	sadd.s32 $0x40, s13  }
.Ltmp0:
0x23: {  	(pc) =	sbr.rel @p1 .LBB2_2-.Ltmp0, $4  }
0x24: {  	_ = 	snop  }
0x25: {  	s15 =	sand.u32 $0x7E00, s15  }
0x26: {  	s16 =	sand.u32 $0x70, s14;
	s15 =	sshrl.u32 s15, $0x2  }
0x27: {  	s15 =	sor.u32 s16, s15  }
0x28: {  	[tilespmem:s15+$0xA900] =	vst v0  }
0x29: {  	[spmem:s9] =	stream.linear.scatter [tilespmem:s31], [sflag:$0x1], $0x1400, $0x38;
	[tilespmem:$0x1FD00] =	vst v63  }
0x2a: {  	s13 =	rddreg [dreg:$0xa]  }
0x2b: {  	[spmem:s13] =	stream.linear.scatter [tilespmem:s31], [sflag:$0x1], $0x1400, $0x38;
	[tilespmem:$0x1FD00] =	vst v63  }
0x2c: {  	s15 =	rddreg [dreg:$0xb]  }
0x2d: {  	[spmem:s15] =	stream.linear.scatter [tilespmem:s31], [sflag:$0x1], $0x1400, $0x38;
	[tilespmem:$0x1FD00] =	vst v63  }
0x2e: {  	s16 =	rddreg [dreg:$0xc]  }
0x2f: {  	[spmem:s16] =	stream.linear.scatter [tilespmem:s31], [sflag:$0x1], $0x1400, $0x38;
	[tilespmem:$0x1FD00] =	vst v63  }
0x30: {  	s14 =	rddreg [dreg:$0xd]  }
0x31: {  	[spmem:s14] =	stream.linear.scatter [tilespmem:s31], [sflag:$0x1], $0x1400, $0x38;
	[tilespmem:$0x1FD00] =	vst v63  }
0x32: {  	s15 =	rddreg [dreg:$0xe]  }
0x33: {  	[spmem:s15] =	stream.linear.scatter [tilespmem:s31], [sflag:$0x1], $0x1400, $0x38;
	[tilespmem:$0x1FD00] =	vst v63  }
0x34: {  	_ = 	snop  }
0x35: {  	[spmem:s17] =	stream.linear.scatter [tilespmem:s31], [sflag:$0x1], $0x1400, $0x38;
	[tilespmem:$0x1FD00] =	vst v63  }
0x36: {  	_ = 	snop  }
0x37: {  	[spmem:s18] =	stream.linear.scatter [tilespmem:s31], [sflag:$0x1], $0x1400, $0x38;
	[tilespmem:$0x1FD00] =	vst v63  }
0x38: {  	_ =	swait.ge [sflag:s2], $0x1400  }
0x39: {  	[sflag:s2] =	ssyncset.done $0x0  }
0x3a: {  	[sflag:s2] =	ssyncadd.s32 $0xFFFFEC00  }
0x3b: {  	_ =	swait.ge [sflag:s2], $0x1400  }
0x3c: {  	[sflag:s2] =	ssyncset.done $0x0  }
0x3d: {  	[sflag:s2] =	ssyncadd.s32 $0xFFFFEC00  }
0x3e: {  	_ =	swait.ge [sflag:s2], $0x1400  }
0x3f: {  	[sflag:s2] =	ssyncset.done $0x0  }
0x40: {  	[sflag:s2] =	ssyncadd.s32 $0xFFFFEC00  }
0x41: {  	_ =	swait.ge [sflag:s2], $0x1400  }
0x42: {  	[sflag:s2] =	ssyncset.done $0x0  }
0x43: {  	[sflag:s2] =	ssyncadd.s32 $0xFFFFEC00  }
0x44: {  	_ =	swait.ge [sflag:s2], $0x1400  }
0x45: {  	[sflag:s2] =	ssyncset.done $0x0  }
0x46: {  	[sflag:s2] =	ssyncadd.s32 $0xFFFFEC00  }
0x47: {  	_ =	swait.ge [sflag:s2], $0x1400  }
0x48: {  	[sflag:s2] =	ssyncset.done $0x0  }
0x49: {  	[sflag:s2] =	ssyncadd.s32 $0xFFFFEC00  }
0x4a: {  	_ =	swait.ge [sflag:s2], $0x1400  }
0x4b: {  	[sflag:s2] =	ssyncset.done $0x0  }
0x4c: {  	[sflag:s2] =	ssyncadd.s32 $0xFFFFEC00  }
0x4d: {  	_ =	swait.ge [sflag:s2], $0x1400  }
0x4e: {  	[sflag:s2] =	ssyncset.done $0x0  }
0x4f: {  	[sflag:s2] =	ssyncadd.s32 $0xFFFFEC00  }
0x50: {  	[spmem:s19] =	stream.linear.scatter [tilespmem:s31], [sflag:$0x1], $0x1400, $0x38;
	[tilespmem:$0x1FD00] =	vst v63  }
0x51: {  	_ = 	snop  }
0x52: {  	[spmem:s20] =	stream.linear.scatter [tilespmem:s31], [sflag:$0x1], $0x1400, $0x38;
	[tilespmem:$0x1FD00] =	vst v63  }
0x53: {  	_ = 	snop  }
0x54: {  	[spmem:s21] =	stream.linear.scatter [tilespmem:s31], [sflag:$0x1], $0x1400, $0x38;
	[tilespmem:$0x1FD00] =	vst v63  }
0x55: {  	_ = 	snop  }
0x56: {  	[spmem:s24] =	stream.linear.scatter [tilespmem:s31], [sflag:$0x1], $0x1400, $0x38;
	[tilespmem:$0x1FD00] =	vst v63  }
0x57: {  	_ = 	snop  }
0x58: {  	[spmem:s26] =	stream.linear.scatter [tilespmem:s31], [sflag:$0x1], $0x1400, $0x38;
	[tilespmem:$0x1FD00] =	vst v63  }
0x59: {  	_ = 	snop  }
0x5a: {  	[spmem:s28] =	stream.linear.scatter [tilespmem:s31], [sflag:$0x1], $0x1400, $0x38;
	[tilespmem:$0x1FD00] =	vst v63  }
0x5b: {  	_ = 	snop  }
0x5c: {  	[spmem:s29] =	stream.linear.scatter [tilespmem:s31], [sflag:$0x1], $0x1400, $0x38;
	[tilespmem:$0x1FD00] =	vst v63  }
0x5d: {  	_ = 	snop  }
0x5e: {  	[spmem:s30] =	stream.linear.scatter [tilespmem:s31], [sflag:$0x1], $0x1400, $0x38;
	[tilespmem:$0x1FD00] =	vst v63  }
0x5f: {  	_ =	swait.ge [sflag:s2], $0x1400  }
0x60: {  	[sflag:s2] =	ssyncset.done $0x0  }
0x61: {  	[sflag:s2] =	ssyncadd.s32 $0xFFFFEC00  }
0x62: {  	_ =	swait.ge [sflag:s2], $0x1400  }
0x63: {  	[sflag:s2] =	ssyncset.done $0x0  }
0x64: {  	[sflag:s2] =	ssyncadd.s32 $0xFFFFEC00  }
0x65: {  	_ =	swait.ge [sflag:s2], $0x1400  }
0x66: {  	[sflag:s2] =	ssyncset.done $0x0  }
0x67: {  	[sflag:s2] =	ssyncadd.s32 $0xFFFFEC00  }
0x68: {  	_ =	swait.ge [sflag:s2], $0x1400  }
0x69: {  	[sflag:s2] =	ssyncset.done $0x0  }
0x6a: {  	[sflag:s2] =	ssyncadd.s32 $0xFFFFEC00  }
0x6b: {  	_ =	swait.ge [sflag:s2], $0x1400  }
0x6c: {  	[sflag:s2] =	ssyncset.done $0x0  }
0x6d: {  	[sflag:s2] =	ssyncadd.s32 $0xFFFFEC00  }
0x6e: {  	_ =	swait.ge [sflag:s2], $0x1400  }
0x6f: {  	[sflag:s2] =	ssyncset.done $0x0  }
0x70: {  	[sflag:s2] =	ssyncadd.s32 $0xFFFFEC00  }
0x71: {  	_ =	swait.ge [sflag:s2], $0x1400  }
0x72: {  	[sflag:s2] =	ssyncset.done $0x0  }
0x73: {  	[sflag:s2] =	ssyncadd.s32 $0xFFFFEC00  }
0x74: {  	_ =	swait.ge [sflag:s2], $0x1400  }
0x75: {  	s13 =	simm.s32 $0x0;
	[sflag:s2] =	ssyncset.done $0x0  }
0x76: {  	s16 =	simm.s32 $0x100;
	s14 =	rddreg [dreg:$0x5];
	[sflag:s2] =	ssyncadd.s32 $0xFFFFEC00  }
0x77: {  	[tilespmem:s16], [sflag:$0x5] =	stream.linear.gather [hbm4b:s14+s13], $0x2800, $0x38;
	[tilespmem:$0x1FD00] =	vst v63  }
0x78: {  	_ =	swait.ge [sflag:s0], $0x2800  }
0x79: {  	[sflag:s0] =	ssyncset.done $0x0  }
0x7a: {  	[sflag:s0] =	ssyncadd.s32 $0xFFFFD800  }
0x7b: {  	[bflag:$0x0] =	sbarrier.arrive $0xFFFF  }
0x7c: {  	s15 =	rddreg [dreg:$0x4]  }
0x7d: {  	[tilespmem:s13], [sflag:$0x5] =	stream.linear.gather [hbm4b:s15+s13], $0x80, $0x38;
	[tilespmem:$0x1FD00] =	vst v63  }
0x7e: {  	_ =	swait.ge [sflag:s0], $0x80  }
0x7f: {  	[sflag:s0] =	ssyncset.done $0x0  }
0x80: {  	[sflag:s0] =	ssyncadd.s32 $0xFFFFFF80  }
0x81: {  	[tilespmem:s7], [sflag:$0x1] =	stream.indirect.gather [hbm4b:s1+s6], $0x80, s13, s6, $0xb8;
	[tilespmem:$0x1FD00] =	vst v63  }
0x82: {  	s16 =	rddreg [dreg:$0x6]  }
0x83: {  	[tilespmem:s6], [sflag:$0x4] =	stream.linear.gather [hbm4b:s16+s13], $0x80, $0x38;
	[tilespmem:$0x1FD00] =	vst v63  }
0x84: {  	_ =	swait.ge [sflag:s8], $0x80  }
0x85: {  	[sflag:s8] =	ssyncset.done $0x0  }
0x86: {  	[sflag:s8] =	ssyncadd.s32 $0xFFFFFF80  }
0x87: {  	[tilespmem:s5], [sflag:$0x2] =	stream.indirect.gather [hbm4b:s1+s6], $0x80, s6, s6, $0xb8;
	[tilespmem:$0x1FD00] =	vst v63  }
0x88: {  	_ =	swait.ge [sflag:s2], $0x4000  }
0x89: {  	[sflag:s2] =	ssyncset.done $0x0  }
0x8a: {  	s14 =	sadd.s32 $0x0, s23;
	[sflag:s2] =	ssyncadd.s32 $0xFFFFC000  }
0x8b: {  	[tilespmem:s4], [sflag:$0x3] =	stream.linear.gather [hbm4b:s14+s4], $0x80, $0x38;
	[tilespmem:$0x1FD00] =	vst v63  }
0x8c: {  	s15 =	simm.s32 $0x100  }
0x8d: {  	[spmem:s3] =	stream.indirect.scatter.add.f32 [tilespmem:s7], [sflag:$0x5], $0x80, s15, s6, $0xb8;
	[tilespmem:$0x1FD00] =	vst v63  }
0x8e: {  	_ =	swait.ge [sflag:s0], $0x4000  }
0x8f: {  	[sflag:s0] =	ssyncset.done $0x0  }
0x90: {  	[sflag:s0] =	ssyncadd.s32 $0xFFFFC000  }
0x91: {  	_ =	swait.ge [sflag:s10], $0x80  }
0x92: {  	[sflag:s10] =	ssyncset.done $0x0  }
0x93: {  	[sflag:s10] =	ssyncadd.s32 $0xFFFFFF80  }
0x94: {  	[tilespmem:s7], [sflag:$0x1] =	stream.indirect.gather [hbm4b:s1+s6], $0x80, s4, s6, $0xb8;
	[tilespmem:$0x1FD00] =	vst v63  }
0x95: {  	_ =	swait.ge [sflag:s11], $0x4000  }
0x96: {  	[sflag:s11] =	ssyncset.done $0x0  }
0x97: {  	s16 =	sadd.s32 $0x0, s22;
	[sflag:s11] =	ssyncadd.s32 $0xFFFFC000  }
0x98: {  	[tilespmem:s6], [sflag:$0x4] =	stream.linear.gather [hbm4b:s16+s4], $0x80, $0x38;
	[tilespmem:$0x1FD00] =	vst v63  }
0x99: {  	s13 =	simm.s32 $0x180  }
0x9a: {  	[spmem:s3] =	stream.indirect.scatter.add.f32 [tilespmem:s5], [sflag:$0x5], $0x80, s13, s6, $0xb8;
	[tilespmem:$0x1FD00] =	vst v63  }
0x9b: {  	_ =	swait.ge [sflag:s0], $0x4000  }
0x9c: {  	s14 =	simm.s32 $0x20;
	[sflag:s0] =	ssyncset.done $0x0  }
.LBB2_4:
0x9d: {  	p1 =	sne.s32 s14, $0x4C0;
	[sflag:s0] =	ssyncadd.s32 $0xFFFFC000;
	s13 =	sadd.s32 $0x100, s13  }
0x9e: {  	s15 =	smov.u32 s14;
	s14 =	sadd.s32 $0x20, s14  }
0x9f: {  	_ =	swait.ge [sflag:s8], $0x80  }
0xa0: {  	[sflag:s8] =	ssyncset.done $0x0  }
0xa1: {  	[sflag:s8] =	ssyncadd.s32 $0xFFFFFF80  }
0xa2: {  	[tilespmem:s5], [sflag:$0x2] =	stream.indirect.gather [hbm4b:s1+s6], $0x80, s6, s6, $0xb8;
	[tilespmem:$0x1FD00] =	vst v63  }
0xa3: {  	_ =	swait.ge [sflag:s2], $0x4000  }
0xa4: {  	[sflag:s2] =	ssyncset.done $0x0  }
0xa5: {  	s16 =	sadd.s32 s15, s23;
	[sflag:s2] =	ssyncadd.s32 $0xFFFFC000  }
0xa6: {  	[tilespmem:s4], [sflag:$0x3] =	stream.linear.gather [hbm4b:s16+s4], $0x80, $0x38;
	[tilespmem:$0x1FD00] =	vst v63  }
0xa7: {  	s16 =	sadd.s32 $0xFFFFFF80, s13  }
0xa8: {  	[spmem:s3] =	stream.indirect.scatter.add.f32 [tilespmem:s7], [sflag:$0x5], $0x80, s16, s6, $0xb8;
	[tilespmem:$0x1FD00] =	vst v63  }
0xa9: {  	_ =	swait.ge [sflag:s0], $0x4000  }
0xaa: {  	[sflag:s0] =	ssyncset.done $0x0  }
0xab: {  	[sflag:s0] =	ssyncadd.s32 $0xFFFFC000  }
0xac: {  	_ =	swait.ge [sflag:s10], $0x80  }
0xad: {  	[sflag:s10] =	ssyncset.done $0x0  }
0xae: {  	[sflag:s10] =	ssyncadd.s32 $0xFFFFFF80  }
0xaf: {  	[tilespmem:s7], [sflag:$0x1] =	stream.indirect.gather [hbm4b:s1+s6], $0x80, s4, s6, $0xb8;
	[tilespmem:$0x1FD00] =	vst v63  }
0xb0: {  	_ =	swait.ge [sflag:s11], $0x4000  }
0xb1: {  	[sflag:s11] =	ssyncset.done $0x0  }
0xb2: {  	s15 =	sadd.s32 s15, s22;
	[sflag:s11] =	ssyncadd.s32 $0xFFFFC000  }
0xb3: {  	[tilespmem:s6], [sflag:$0x4] =	stream.linear.gather [hbm4b:s15+s4], $0x80, $0x38;
	[tilespmem:$0x1FD00] =	vst v63  }
.Ltmp1:
0xb4: {  	_ = 	snop;
	(pc) =	sbr.rel @p1 .LBB2_4-.Ltmp1, $4  }
0xb5: {  	_ = 	snop  }
0xb6: {  	[spmem:s3] =	stream.indirect.scatter.add.f32 [tilespmem:s5], [sflag:$0x5], $0x80, s13, s6, $0xb8;
	[tilespmem:$0x1FD00] =	vst v63  }
0xb7: {  	_ =	swait.ge [sflag:s0], $0x4000  }
0xb8: {  	[sflag:s0] =	ssyncset.done $0x0  }
0xb9: {  	[sflag:s0] =	ssyncadd.s32 $0xFFFFC000  }
0xba: {  	_ =	swait.ge [sflag:s8], $0x80  }
0xbb: {  	[sflag:s8] =	ssyncset.done $0x0  }
0xbc: {  	[sflag:s8] =	ssyncadd.s32 $0xFFFFFF80  }
0xbd: {  	[tilespmem:s5], [sflag:$0x2] =	stream.indirect.gather [hbm4b:s1+s6], $0x80, s6, s6, $0xb8;
	[tilespmem:$0x1FD00] =	vst v63  }
0xbe: {  	_ =	swait.ge [sflag:s2], $0x4000  }
0xbf: {  	[sflag:s2] =	ssyncset.done $0x0  }
0xc0: {  	s13 =	simm.s32 $0x2800;
	[sflag:s2] =	ssyncadd.s32 $0xFFFFC000  }
0xc1: {  	[spmem:s3] =	stream.indirect.scatter.add.f32 [tilespmem:s7], [sflag:$0x5], $0x80, s13, s6, $0xb8;
	[tilespmem:$0x1FD00] =	vst v63  }
0xc2: {  	_ =	swait.ge [sflag:s0], $0x4000  }
0xc3: {  	[sflag:s0] =	ssyncset.done $0x0  }
0xc4: {  	[sflag:s0] =	ssyncadd.s32 $0xFFFFC000  }
0xc5: {  	_ =	swait.ge [sflag:s11], $0x4000  }
0xc6: {  	[sflag:s11] =	ssyncset.done $0x0  }
0xc7: {  	s15 =	simm.s32 $0x2880;
	[sflag:s11] =	ssyncadd.s32 $0xFFFFC000  }
0xc8: {  	[spmem:s3] =	stream.indirect.scatter.add.f32 [tilespmem:s5], [sflag:$0x5], $0x80, s15, s6, $0xb8;
	[tilespmem:$0x1FD00] =	vst v63  }
0xc9: {  	_ =	swait.ge [sflag:s0], $0x4000  }
0xca: {  	[sflag:s0] =	ssyncset.done $0x0  }
0xcb: {  	[sflag:s0] =	ssyncadd.s32 $0xFFFFC000  }
0xcc: {  	[bflag:$0x0] =	sbarrier.arrive $0xFFFF  }
0xcd: {  	s13 =	simm.s32 @p0 $0x1FC5;
	s14 =	rddreg [dreg:$0x8]  }
0xce: {  	[hbm:s14], [sflag:s13] =	dma.local @p0 [spmem:s25], $0x1900  }
0xcf: {  	s13 =	simm.s32 @p0 $0x5  }
0xd0: {  	s14 =	stileid.u32;
	_ =	swait.ge @p0 [sflag:s13], $0x1900  }
0xd1: {  	s14 =	sshll.u32 @!p0 s14, $0x6;
	[sflag:s13] =	ssyncset.done @p0 $0x0;
	s15 =	rddreg [dreg:$0x7]  }
0xd2: {  	[sflag:s13] =	ssyncadd.s32 @p0 $0xFFFFE700;
	s13 =	sor.u32 @!p0 $0x1C05, s14;
	s14 =	sshrl.u32 @!p0 s9, $0x3  }
0xd3: {  	[hbm:s15], [sflag:s13] =	dma.local @!p0 [spmem:s14], $0x2800  }
0xd4: {  	s13 =	simm.s32 @!p0 $0x5  }
0xd5: {  	_ =	swait.ge @!p0 [sflag:s13], $0x2800  }
0xd6: {  	s12 =	sadd.s32 $0x1, s12;
	s16 =	rddreg [dreg:$0x9]  }
0xd7: {  	p1 =	sne.s32 s12, s16  }
.Ltmp2:
0xd8: {  	_ = 	snop;
	(pc) =	sbr.rel @p1 .LBB2_1-.Ltmp2, $3  }
0xd9: {  	_ =	sdelay $0x1  }
0xda: {  	[sflag:s13] =	ssyncset.done @!p0 $0x0  }
0xdb: {  	[sflag:s13] =	ssyncadd.s32 @!p0 $0xFFFFD800  }
0xdc: {  	_ =	sfence.sel $0x180000  }
0xdd: {  	[bflag:$0x0] =	sbarrier.arrive $0xFFFF  }
0xde: {  	_ =	strace $0x9000004A  }
0xdf: {  	s0 =	stileid.u32;
	[bflag:$0x2] =	sbarrier.arrive $0xFFFF  }
0xe0: {  	p0 =	sne.s32 s0, $0x0;
	s0 =	rddreg [dreg:$0x3]  }
0xe1: {  	s0 =	sadd.s32 @!p0 $0x100000, s0  }
0xe2: {  	[sflag:s0] =	ssyncadd.tile.s32 @!p0 $0x1;
	_ =	shalt  }
.Lfunc_end2:
_tile_overlayer_lowered:
.L_overlay_start_2:
0xe3: {  	(tag) =	ssettag $0x2  }
0xe4: {  	s0 =	rddreg [dreg:$0x0];
	s2 =	stileid.u32  }
0xe5: {  	s1 =	rddreg [dreg:$0x1];
	p0 =	sne.s32 s2, $0x0  }
0xe6: {  	s3 =	rddreg [dreg:$0x2];
	[bflag:$0x3] =	sbarrier.arrive $0xFFFF;
	s2 =	simm.s32 @!p0 $0x1C05  }
0xe7: {  	[timem:s3], [sflag:s2] =	dma.local @!p0 [hbm:s0], s1  }
0xe8: {  	s0 =	simm.s32 @!p0 $0x5  }
0xe9: {  	_ =	swait.ge @!p0 [sflag:s0], s1  }
0xea: {  	s1 =	ssub.s32 @!p0 $0x0, s1;
	[sflag:s0] =	ssyncset.done @!p0 $0x0  }
0xeb: {  	[sflag:s0] =	ssyncadd.s32 @!p0 s1  }
0xec: {  	[bflag:$0x3] =	sbarrier.arrive $0xFFFF  }
0xed: {  	_ =	shalt  }

// kernel: kernel.14.cloned.1.call-start
scs
__scs_entry_jumppad:
0x0: {  	(pc) =	sbr.rel $0x88, $3  }
0x1: {  	(tag) =	ssettag $0x0;
	lr =	simm.s32 $0x1  }
0x2: {  	[smem:$0x3F9B] =	sst lr;
	_ =	strace $0xD0000000  }
0x3: {  	_ = 	snop  }
0x4: {  	_ = 	snop  }
0x5: {  	_ = 	snop  }
0x6: {  	_ = 	snop  }
0x7: {  	_ = 	snop  }
__scs_overlays_trampoline_lowered:
0x8: {  	[smem:$0x3FAA] =	sst s0  }
0x9: {  	[smem:$0x3FAB] =	sst s1  }
0xa: {  	[smem:$0x3FAC] =	sst s2  }
0xb: {  	[smem:$0x3FAD] =	sst s3  }
0xc: {  	[smem:$0x3FAE] =	sst s4  }
0xd: {  	[smem:$0x3FAF] =	sst s5  }
0xe: {  	[smem:$0x3FB0] =	sst s6  }
0xf: {  	[smem:$0x3FB1] =	sst s7  }
0x10: {  	[smem:$0x3FB2] =	sst s8  }
0x11: {  	[smem:$0x3FB3] =	sst s9;
	s0 =	simm.s32 @!p0 $0x0  }
0x12: {  	s1 =	sld [smem:$0x3F99];
	s0 =	simm.s32 @p0 $0x1  }
0x13: {  	[smem:$0x3FB4] =	sst s0;
	s0 =	simm.s32 @!p1 $0x0  }
0x14: {  	s2 =	sld [smem:$0x3F98];
	s0 =	simm.s32 @p1 $0x1  }
0x15: {  	[smem:$0x3FB5] =	sst s0;
	s0 =	simm.s32 @!p2 $0x0  }
0x16: {  	s3 =	sld [smem:$0x3FDB];
	s0 =	simm.s32 @p2 $0x1  }
0x17: {  	s4 =	simm.s32 $0x1BF5;
	[smem:$0x3FB7] =	sst s0  }
0x18: {  	s0 =	sld [smem:$0x3F9A];
	_ =	swait.ge [sflag:s4], $0x0  }
0x19: {  	s7 =	sld [smem:$0x3F9B]  }
0x1a: {  	s8 =	sadd.s32 $0xFFFFE003, lr  }
0x1b: {  	s9 =	sadd.s32 $0xFFFFFEF7, lr;
	s5 =	simm.s32 $0xFFFFFFFF;
	p2 =	slt.u32 s8, $0xFFFFF086  }
0x1c: {  	p1 =	slt.u32 s9, $0xF7A;
	s5 =	simm.s32 @!p2 $0x0  }
0x1d: {  	s5 =	simm.s32 @p1 $0x1;
	p0 =	seq.s32 s7, s2  }
0x1e: {  	s7 =	smul.u32 @!p0 $0xF7A, s2;
	p2 =	seq.s32 @!p0 s5, $0x0  }
0x1f: {  	s9 =	smul.u32 $0xF7A, s1;
	s8 =	simm.s32 @!p0 $0x1BF5;
	p2 =	por !p2, p0  }
0x20: {  	[sflag:s8] =	ssyncset.s32 @!p0 $0xFFFFF086;
	s6 =	sadd.s32 @!p0 s3, s7;
	s7 =	simm.s32 @!p0 $0x108  }
0x21: {  	s3 =	sadd.s32 s3, s9;
	s6 =	sadd.s32 @!p0 $0x88, s6;
	s7 =	simm.s32 @p2 $0x1082  }
0x22: {  	[simem:s7], [sflag:s8] =	dma.local @!p0 [hbm:s6], $0xF7A  }
0x23: {  	s9 =	sor.u32 $0xD0000000, s2;
	s6 =	simm.s32 $0x108;
	_ =	swait.ge @!p0 [sflag:s8], $0x0  }
0x24: {  	s3 =	sadd.s32 $0x88, s3;
	s6 =	simm.s32 @!p1 $0x1082;
	[sflag:s4] =	ssyncset.s32 $0xFFFFF086  }
0x25: {  	[simem:s6], [sflag:s4] =	dma.local [hbm:s3], $0xF7A  }
0x26: {  	[smem:$0x3F9B] =	sst s1;
	(tag) =	ssettag s2;
	_ =	strace s9  }
0x27: {  	s1 =	sld [smem:$0x3FAB]  }
0x28: {  	s2 =	sld [smem:$0x3FAC]  }
0x29: {  	s4 =	sld [smem:$0x3FAE]  }
0x2a: {  	p0 =	seq.s32 s5, $0x0;
	s5 =	sld [smem:$0x3FAF]  }
0x2b: {  	s6 =	sld [smem:$0x3FB0]  }
0x2c: {  	s7 =	sld [smem:$0x3FB1]  }
0x2d: {  	s3 =	simm.s32 $0x108;
	s8 =	sld [smem:$0x3FB2]  }
0x2e: {  	s3 =	simm.s32 @!p0 $0x1082;
	s9 =	sld [smem:$0x3FB3]  }
0x2f: {  	lr =	sadd.s32 s0, s3;
	s0 =	sld [smem:$0x3FAA]  }
0x30: {  	s3 =	sld [smem:$0x3FAD]  }
0x31: {  	[smem:$0x3FB6] =	sst s10  }
0x32: {  	s10 =	sld [smem:$0x3FB4];
	_ =	sdelay $0x3  }
0x33: {  	p0 =	seq.s32 s10, $0x1;
	s10 =	sld [smem:$0x3FB6];
	_ =	sdelay $0x3  }
0x34: {  	[smem:$0x3FB6] =	sst s10  }
0x35: {  	s10 =	sld [smem:$0x3FB5];
	_ =	sdelay $0x3  }
0x36: {  	p1 =	seq.s32 s10, $0x1;
	s10 =	sld [smem:$0x3FB6];
	_ =	sdelay $0x3  }
0x37: {  	[smem:$0x3FB6] =	sst s10  }
0x38: {  	s10 =	sld [smem:$0x3FB7]  }
0x39: {  	_ = 	snop;
	(pc) =	sbr.ind lr, $3  }
0x3a: {  	_ = 	snop  }
0x3b: {  	_ = 	snop  }
0x3c: {  	p2 =	seq.s32 s10, $0x1;
	s10 =	sld [smem:$0x3FB6]  }
0x3d: {  	_ =	shalt  }
0x3e: {  	_ =	shalt  }
0x3f: {  	_ =	shalt  }
0x40: {  	_ =	shalt  }
0x41: {  	_ =	shalt  }
0x42: {  	_ =	shalt  }
0x43: {  	_ =	shalt  }
0x44: {  	_ =	shalt  }
0x45: {  	_ =	shalt  }
0x46: {  	_ =	shalt  }
0x47: {  	_ =	shalt  }
0x48: {  	_ =	shalt  }
0x49: {  	_ =	shalt  }
0x4a: {  	_ =	shalt  }
0x4b: {  	_ =	shalt  }
0x4c: {  	_ =	shalt  }
0x4d: {  	_ =	shalt  }
0x4e: {  	_ =	shalt  }
0x4f: {  	_ =	shalt  }
0x50: {  	_ =	shalt  }
0x51: {  	_ =	shalt  }
0x52: {  	_ =	shalt  }
0x53: {  	_ =	shalt  }
0x54: {  	_ =	shalt  }
0x55: {  	_ =	shalt  }
0x56: {  	_ =	shalt  }
0x57: {  	_ =	shalt  }
0x58: {  	_ =	shalt  }
0x59: {  	_ =	shalt  }
0x5a: {  	_ =	shalt  }
0x5b: {  	_ =	shalt  }
0x5c: {  	_ =	shalt  }
0x5d: {  	_ =	shalt  }
0x5e: {  	_ =	shalt  }
0x5f: {  	_ =	shalt  }
0x60: {  	_ =	shalt  }
0x61: {  	_ =	shalt  }
0x62: {  	_ =	shalt  }
0x63: {  	_ =	shalt  }
0x64: {  	_ =	shalt  }
0x65: {  	_ =	shalt  }
0x66: {  	_ =	shalt  }
0x67: {  	_ =	shalt  }
0x68: {  	_ =	shalt  }
0x69: {  	_ =	shalt  }
0x6a: {  	_ =	shalt  }
0x6b: {  	_ =	shalt  }
0x6c: {  	_ =	shalt  }
0x6d: {  	_ =	shalt  }
0x6e: {  	_ =	shalt  }
0x6f: {  	_ =	shalt  }
0x70: {  	_ =	shalt  }
0x71: {  	_ =	shalt  }
0x72: {  	_ =	shalt  }
0x73: {  	_ =	shalt  }
0x74: {  	_ =	shalt  }
0x75: {  	_ =	shalt  }
0x76: {  	_ =	shalt  }
0x77: {  	_ =	shalt  }
0x78: {  	_ =	shalt  }
0x79: {  	_ =	shalt  }
0x7a: {  	_ =	shalt  }
0x7b: {  	_ =	shalt  }
0x7c: {  	_ =	shalt  }
0x7d: {  	_ =	shalt  }
0x7e: {  	_ =	shalt  }
0x7f: {  	_ =	shalt  }
0x80: {  	_ =	shalt  }
0x81: {  	_ =	shalt  }
0x82: {  	_ =	shalt  }
0x83: {  	_ =	shalt  }
0x84: {  	_ =	shalt  }
0x85: {  	_ =	shalt  }
0x86: {  	_ =	shalt  }
0x87: {  	_ =	shalt  }
.Lfunc_end0:
.L_simem_size_0:
called_computation.2_lowered:
.L_overlay_start_0:
0x88: {  	s2 =	sld [smem:$0x3FD9]  }
0x89: {  	s3 =	sld [smem:$0x3FFE];
	_ =	sdelay $0x1  }
0x8a: {  	s1 =	srdreg.scid  }
0x8b: {  	s0 =	sand.u32 $0x1, s1  }
0x8c: {  	s17 =	sshll.u32 s0, $0xA;
	s2 =	sadd.s32 s3, s2  }
0x8d: {  	s2 =	sadd.s32 s2, s17  }
0x8e: {  	[smem:$0x3FC2] =	sst s2  }
0x8f: {  	_ = 	snop  }
0x90: {  	s2 =	sld [smem:$0x3FD0];
	(tm) =	ssettm $0x1  }
0x91: {  	s18 =	sld [smem:$0x3FFB];
	_ =	sdelay $0x3  }
0x92: {  	_ =	strace s18  }
0x93: {  	s3 =	sld [smem:$0x3FFC];
	_ =	sdelay $0x3  }
0x94: {  	_ =	strace s3  }
0x95: {  	s3 =	sld [smem:$0x3FFD];
	_ =	sdelay $0x3  }
0x96: {  	_ =	strace s3  }
0x97: {  	_ =	strace $0x8FFFFFFF  }
0x98: {  	s19 =	sld [smem:$0x3FDB];
	_ =	sdelay $0x1  }
0x99: {  	s4 =	simm.s32 $_scs_section_size  }
0x9a: {  	s5 =	simm.s32 $_size__tile_overlayer_lowered;
	s6 =	simm.s32 $_tile_overlayer_lowered  }
0x9b: {  	s22 =	simm.s32 $0x1BFF;
	s21 =	sshll.u32 s6, $0x1;
	s3 =	sadd.s32 s4, s19  }
0x9c: {  	s7 =	simm.s32 $0x0;
	s20 =	sshll.u32 s5, $0x1;
	s5 =	sadd.s32 s21, s3  }
0x9d: {  	[timem:s7], [sflag:s22] =	dma.local [hbm:s5], s20  }
0x9e: {  	_ =	swait.ge [sflag:s22], s20  }
0x9f: {  	s4 =	ssub.s32 $0x0, s20;
	[sflag:s22] =	ssyncset.done $0x0  }
0xa0: {  	[sflag:s22] =	ssyncadd.s32 s4;
	_ =	sdelay $0x1  }
0xa1: {  	s23 =	simm.s32 $0x1B8B  }
0xa2: {  	_ =	swait.ge [sflag:s23], $0x1  }
0xa3: {  	[sflag:s23] =	ssyncset.done $0x0  }
0xa4: {  	s25 =	simm.s32 $0x1B8E;
	s24 =	sld [smem:$0x3FFE];
	[sflag:s23] =	ssyncadd.s32 $0xFFFFFFFF  }
0xa5: {  	s26 =	simm.s32 $execute0_lowered;
	[smem:$0x3FD2] =	sst s25  }
0xa6: {  	s5 =	sshll.u32 s26, $0x1;
	_ =	strace $0x8000004C;
	[dreg:$0x1] =	wrdreg $0xFFFFFFFF  }
0xa7: {  	s28 =	simm.s32 $_size_execute0_lowered;
	s3 =	sadd.s32 s3, s5;
	[dreg:$0x0] =	wrdreg $0x0  }
0xa8: {  	s5 =	sshll.u32 s28, $0x1;
	[dreg:$0x2] =	wrdreg s3  }
0xa9: {  	[dreg:$0x3] =	wrdreg s5  }
0xaa: {  	[dreg:$0x4] =	wrdreg $0xC0  }
0xab: {  	_ =	task [dreg:s7], $0x5FFFF  }
0xac: {  	[dreg:$0x1] =	wrdreg $0xFFFFFFFF  }
0xad: {  	[dreg:$0x0] =	wrdreg $0x60  }
0xae: {  	[dreg:$0x2] =	wrdreg s2  }
0xaf: {  	[dreg:$0x3] =	wrdreg s24  }
0xb0: {  	[dreg:$0x4] =	wrdreg $0xBD000  }
0xb1: {  	[dreg:$0x5] =	wrdreg $0x9  }
0xb2: {  	_ =	task.clear_ibuf [dreg:s7], $0x6FFFF;
	_ =	strace $0x9000004C  }
0xb3: {  	s29 =	simm.s32 $0x9;
	_ =	strace $0x8000004E  }
0xb4: {  	_ =	swait.ge [sflag:s29], $0x1  }
0xb5: {  	[sflag:s29] =	ssyncadd.s32 $0xFFFFFFFF  }
0xb6: {  	_ =	strace $0x9000004E  }
0xb7: {  	_ =	sfence  }
0xb8: {  	s30 =	sld [smem:$0x0];
	_ =	sdelay $0x2  }
0xb9: {  	s31 =	sshll.u32 s1, $0xD;
	s1 =	sshrl.u32 s1, $0x2  }
0xba: {  	s3 =	sand.u32 $0x4000, s31;
	s1 =	sadd.s32 s1, s30  }
0xbb: {  	s0 =	sor.u32 s3, s0;
	s1 =	sshll.u32 s1, $0x11  }
0xbc: {  	s0 =	sor.u32 s1, s0  }
0xbd: {  	s0 =	sadd.s32 $0x8F2B, s0  }
0xbe: {  	[sflag:s0] =	ssyncadd.remote.s32 $0x1  }
0xbf: {  	_ =	sfence.sel $0xFFFF  }
0xc0: {  	[dreg:$0x0] =	wrdreg $0xFFFFFFFF;
	(pc) =	sbr.abs _section_cstart, $3  }
0xc1: {  	[dreg:$0x1] =	wrdreg $0xFFFFFFFF  }
0xc2: {  	_ =	task.clear_ibuf [dreg:s7], $0x2FFFF;
	_ =	strace $0x9FFFFFFF  }
0xc3: {  	(tm) =	ssettm $0x7FFFFFFF  }
tec
execute0_lowered:
.L_overlay_start_1:
0x0: {  	(tag) =	ssettag $0x1  }
0x1: {  	s0 =	srdreg.scid  }
0x2: {  	s1 =	rddreg [dreg:$0x0];
	s12 =	stileid.u32  }
0x3: {  	s2 =	rddreg [dreg:$0x1];
	s11 =	smul.u32 $0x14000, s12  }
0x4: {  	s3 =	rddreg [dreg:$0x2];
	s16 =	smul.u32 $0x50000, s12  }
0x5: {  	s31 =	simm.s32 $0xA900;
	s0 =	sand.u32 $0x1, s0;
	s22 =	smul.u32 $0x2800, s12  }
0x6: {  	s6 =	sadd.s32 $0x2000, s2;
	p0 =	seq.s32 s12, $0xF;
	s9 =	smul.u32 $0x138800, s0  }
0x7: {  	s4 =	sshll.u32 s0, $0x4;
	s8 =	ssub.s32 $0x2, s0;
	s0 =	smul.u32 $0x28000, s0  }
0x8: {  	s5 =	sor.u32 s12, s4;
	s4 =	simm.s32 $0x0;
	s10 =	sshrl.u32 s8, $0x1  }
0x9: {  	s12 =	simm.s32 $0x0;
	s5 =	smul.u32 $0x2800, s5;
	[smem:$0x7FF] =	sst s4  }
0xa: {  	s8 =	ssub.s32 s8, s10;
	s18 =	sadd.s32 s11, s9;
	s19 =	sshrl.u32 s9, $0x3  }
0xb: {  	s0 =	sadd.s32 s22, s0;
	s10 =	simm.s32 $0x3;
	s11 =	simm.s32 $0x2  }
0xc: {  	_ =	strace $0x8000004D;
	s20 =	smax.u32 s8, $0x1;
	s5 =	sshrl.u32 s5, $0x3  }
0xd: {  	s8 =	simm.s32 $0x4;
	[dreg:$0x9] =	wrdreg s20;
	s7 =	sadd.s32 s5, s2  }
0xe: {  	s2 =	sadd.s32 $0x16000, s2;
	s15 =	sadd.s32 s6, s5;
	s5 =	sshrl.u32 s16, $0x2  }
0xf: {  	s7 =	sadd.s32 $0xC000, s7;
	[dreg:$0x4] =	wrdreg s15;
	s17 =	sadd.s32 $0x10, s15  }
0x10: {  	s9 =	sadd.s32 s5, s3;
	s5 =	sor.u32 $0x180, s0;
	[dreg:$0x5] =	wrdreg s7  }
0x11: {  	s0 =	sor.u32 $0x100, s0;
	[dreg:$0x6] =	wrdreg s17;
	s7 =	sshrl.u32 s18, $0x3  }
0x12: {  	s21 =	sadd.s32 $0x1400, s9;
	s23 =	sadd.s32 $0x2800, s9;
	s24 =	sadd.s32 $0x3C00, s9  }
0x13: {  	s25 =	sadd.s32 $0x5000, s9;
	s26 =	sadd.s32 $0x6400, s9;
	s17 =	sadd.s32 $0x7800, s9  }
0x14: {  	s18 =	sadd.s32 $0x8C00, s9;
	s20 =	sadd.s32 $0xB400, s9;
	[dreg:$0xa] =	wrdreg s21  }
0x15: {  	s5 =	sshrl.u32 s5, $0x3;
	s0 =	sshrl.u32 s0, $0x3;
	[dreg:$0xb] =	wrdreg s23  }
0x16: {  	s28 =	sadd.s32 $0x10400, s9;
	s29 =	sadd.s32 $0x11800, s9;
	[dreg:$0xc] =	wrdreg s24  }
0x17: {  	s30 =	sadd.s32 $0x12C00, s9;
	s7 =	sadd.s32 s2, s7;
	[dreg:$0xd] =	wrdreg s25  }
0x18: {  	s2 =	sadd.s32 s2, s19;
	[dreg:$0xe] =	wrdreg s26;
	s19 =	sadd.s32 $0xA000, s9  }
0x19: {  	s21 =	sadd.s32 $0xC800, s9;
	s22 =	sadd.s32 s5, s6;
	s23 =	sadd.s32 s0, s6  }
0x1a: {  	s24 =	sadd.s32 $0xDC00, s9;
	s26 =	sadd.s32 $0xF000, s9;
	s0 =	simm.s32 $0x5  }
0x1b: {  	s6 =	simm.s32 $0x80;
	[dreg:$0x7] =	wrdreg s7;
	s2 =	sadd.s32 $0x25800, s2  }
0x1c: {  	s5 =	simm.s32 $0x6900;
	[dreg:$0x8] =	wrdreg s2;
	s2 =	sadd.s32 $0x12C000, s3  }
0x1d: {  	v0 =	vimm.f32 $0.0e+00;
	s7 =	simm.s32 $0x2900;
	s25 =	sshrl.u32 @p0 s2, $0x3;
	s2 =	simm.s32 $0x1  }
.LBB2_1:
0x1e: {  	s13 =	sand.u32 $0x7E00, s4  }
0x1f: {  	s14 =	sand.u32 $0x70, s4;
	s15 =	sshrl.u32 s13, $0x2  }
0x20: {  	s13 =	simm.s32 $0x40;
	s15 =	sor.u32 s14, s15;
	s14 =	simm.s32 $0x0  }
.LBB2_2:
0x21: {  	p1 =	sne.s32 s13, $0x4FC0  }
0x22: {  	[tilespmem:s15+$0xA900] =	vst v0;
	s14 =	sadd.s32 $0x10, s14;
	s15 =	smov.u32 s13;
	s13 =	sadd.s32 $0x40, s13  }
.Ltmp0:
0x23: {  	(pc) =	sbr.rel @p1 .LBB2_2-.Ltmp0, $4  }
0x24: {  	_ = 	snop  }
0x25: {  	s15 =	sand.u32 $0x7E00, s15  }
0x26: {  	s16 =	sand.u32 $0x70, s14;
	s15 =	sshrl.u32 s15, $0x2  }
0x27: {  	s15 =	sor.u32 s16, s15  }
0x28: {  	[tilespmem:s15+$0xA900] =	vst v0  }
0x29: {  	[spmem:s9] =	stream.linear.scatter [tilespmem:s31], [sflag:$0x1], $0x1400, $0x38;
	[tilespmem:$0x1FD00] =	vst v63  }
0x2a: {  	s13 =	rddreg [dreg:$0xa]  }
0x2b: {  	[spmem:s13] =	stream.linear.scatter [tilespmem:s31], [sflag:$0x1], $0x1400, $0x38;
	[tilespmem:$0x1FD00] =	vst v63  }
0x2c: {  	s15 =	rddreg [dreg:$0xb]  }
0x2d: {  	[spmem:s15] =	stream.linear.scatter [tilespmem:s31], [sflag:$0x1], $0x1400, $0x38;
	[tilespmem:$0x1FD00] =	vst v63  }
0x2e: {  	s16 =	rddreg [dreg:$0xc]  }
0x2f: {  	[spmem:s16] =	stream.linear.scatter [tilespmem:s31], [sflag:$0x1], $0x1400, $0x38;
	[tilespmem:$0x1FD00] =	vst v63  }
0x30: {  	s14 =	rddreg [dreg:$0xd]  }
0x31: {  	[spmem:s14] =	stream.linear.scatter [tilespmem:s31], [sflag:$0x1], $0x1400, $0x38;
	[tilespmem:$0x1FD00] =	vst v63  }
0x32: {  	s15 =	rddreg [dreg:$0xe]  }
0x33: {  	[spmem:s15] =	stream.linear.scatter [tilespmem:s31], [sflag:$0x1], $0x1400, $0x38;
	[tilespmem:$0x1FD00] =	vst v63  }
0x34: {  	_ = 	snop  }
0x35: {  	[spmem:s17] =	stream.linear.scatter [tilespmem:s31], [sflag:$0x1], $0x1400, $0x38;
	[tilespmem:$0x1FD00] =	vst v63  }
0x36: {  	_ = 	snop  }
0x37: {  	[spmem:s18] =	stream.linear.scatter [tilespmem:s31], [sflag:$0x1], $0x1400, $0x38;
	[tilespmem:$0x1FD00] =	vst v63  }
0x38: {  	_ =	swait.ge [sflag:s2], $0x1400  }
0x39: {  	[sflag:s2] =	ssyncset.done $0x0  }
0x3a: {  	[sflag:s2] =	ssyncadd.s32 $0xFFFFEC00  }
0x3b: {  	_ =	swait.ge [sflag:s2], $0x1400  }
0x3c: {  	[sflag:s2] =	ssyncset.done $0x0  }
0x3d: {  	[sflag:s2] =	ssyncadd.s32 $0xFFFFEC00  }
0x3e: {  	_ =	swait.ge [sflag:s2], $0x1400  }
0x3f: {  	[sflag:s2] =	ssyncset.done $0x0  }
0x40: {  	[sflag:s2] =	ssyncadd.s32 $0xFFFFEC00  }
0x41: {  	_ =	swait.ge [sflag:s2], $0x1400  }
0x42: {  	[sflag:s2] =	ssyncset.done $0x0  }
0x43: {  	[sflag:s2] =	ssyncadd.s32 $0xFFFFEC00  }
0x44: {  	_ =	swait.ge [sflag:s2], $0x1400  }
0x45: {  	[sflag:s2] =	ssyncset.done $0x0  }
0x46: {  	[sflag:s2] =	ssyncadd.s32 $0xFFFFEC00  }
0x47: {  	_ =	swait.ge [sflag:s2], $0x1400  }
0x48: {  	[sflag:s2] =	ssyncset.done $0x0  }
0x49: {  	[sflag:s2] =	ssyncadd.s32 $0xFFFFEC00  }
0x4a: {  	_ =	swait.ge [sflag:s2], $0x1400  }
0x4b: {  	[sflag:s2] =	ssyncset.done $0x0  }
0x4c: {  	[sflag:s2] =	ssyncadd.s32 $0xFFFFEC00  }
0x4d: {  	_ =	swait.ge [sflag:s2], $0x1400  }
0x4e: {  	[sflag:s2] =	ssyncset.done $0x0  }
0x4f: {  	[sflag:s2] =	ssyncadd.s32 $0xFFFFEC00  }
0x50: {  	[spmem:s19] =	stream.linear.scatter [tilespmem:s31], [sflag:$0x1], $0x1400, $0x38;
	[tilespmem:$0x1FD00] =	vst v63  }
0x51: {  	_ = 	snop  }
0x52: {  	[spmem:s20] =	stream.linear.scatter [tilespmem:s31], [sflag:$0x1], $0x1400, $0x38;
	[tilespmem:$0x1FD00] =	vst v63  }
0x53: {  	_ = 	snop  }
0x54: {  	[spmem:s21] =	stream.linear.scatter [tilespmem:s31], [sflag:$0x1], $0x1400, $0x38;
	[tilespmem:$0x1FD00] =	vst v63  }
0x55: {  	_ = 	snop  }
0x56: {  	[spmem:s24] =	stream.linear.scatter [tilespmem:s31], [sflag:$0x1], $0x1400, $0x38;
	[tilespmem:$0x1FD00] =	vst v63  }
0x57: {  	_ = 	snop  }
0x58: {  	[spmem:s26] =	stream.linear.scatter [tilespmem:s31], [sflag:$0x1], $0x1400, $0x38;
	[tilespmem:$0x1FD00] =	vst v63  }
0x59: {  	_ = 	snop  }
0x5a: {  	[spmem:s28] =	stream.linear.scatter [tilespmem:s31], [sflag:$0x1], $0x1400, $0x38;
	[tilespmem:$0x1FD00] =	vst v63  }
0x5b: {  	_ = 	snop  }
0x5c: {  	[spmem:s29] =	stream.linear.scatter [tilespmem:s31], [sflag:$0x1], $0x1400, $0x38;
	[tilespmem:$0x1FD00] =	vst v63  }
0x5d: {  	_ = 	snop  }
0x5e: {  	[spmem:s30] =	stream.linear.scatter [tilespmem:s31], [sflag:$0x1], $0x1400, $0x38;
	[tilespmem:$0x1FD00] =	vst v63  }
0x5f: {  	_ =	swait.ge [sflag:s2], $0x1400  }
0x60: {  	[sflag:s2] =	ssyncset.done $0x0  }
0x61: {  	[sflag:s2] =	ssyncadd.s32 $0xFFFFEC00  }
0x62: {  	_ =	swait.ge [sflag:s2], $0x1400  }
0x63: {  	[sflag:s2] =	ssyncset.done $0x0  }
0x64: {  	[sflag:s2] =	ssyncadd.s32 $0xFFFFEC00  }
0x65: {  	_ =	swait.ge [sflag:s2], $0x1400  }
0x66: {  	[sflag:s2] =	ssyncset.done $0x0  }
0x67: {  	[sflag:s2] =	ssyncadd.s32 $0xFFFFEC00  }
0x68: {  	_ =	swait.ge [sflag:s2], $0x1400  }
0x69: {  	[sflag:s2] =	ssyncset.done $0x0  }
0x6a: {  	[sflag:s2] =	ssyncadd.s32 $0xFFFFEC00  }
0x6b: {  	_ =	swait.ge [sflag:s2], $0x1400  }
0x6c: {  	[sflag:s2] =	ssyncset.done $0x0  }
0x6d: {  	[sflag:s2] =	ssyncadd.s32 $0xFFFFEC00  }
0x6e: {  	_ =	swait.ge [sflag:s2], $0x1400  }
0x6f: {  	[sflag:s2] =	ssyncset.done $0x0  }
0x70: {  	[sflag:s2] =	ssyncadd.s32 $0xFFFFEC00  }
0x71: {  	_ =	swait.ge [sflag:s2], $0x1400  }
0x72: {  	[sflag:s2] =	ssyncset.done $0x0  }
0x73: {  	[sflag:s2] =	ssyncadd.s32 $0xFFFFEC00  }
0x74: {  	_ =	swait.ge [sflag:s2], $0x1400  }
0x75: {  	s13 =	simm.s32 $0x0;
	[sflag:s2] =	ssyncset.done $0x0  }
0x76: {  	s16 =	simm.s32 $0x100;
	s14 =	rddreg [dreg:$0x5];
	[sflag:s2] =	ssyncadd.s32 $0xFFFFEC00  }
0x77: {  	[tilespmem:s16], [sflag:$0x5] =	stream.linear.gather [hbm4b:s14+s13], $0x2800, $0x38;
	[tilespmem:$0x1FD00] =	vst v63  }
0x78: {  	_ =	swait.ge [sflag:s0], $0x2800  }
0x79: {  	[sflag:s0] =	ssyncset.done $0x0  }
0x7a: {  	[sflag:s0] =	ssyncadd.s32 $0xFFFFD800  }
0x7b: {  	[bflag:$0x0] =	sbarrier.arrive $0xFFFF  }
0x7c: {  	s15 =	rddreg [dreg:$0x4]  }
0x7d: {  	[tilespmem:s13], [sflag:$0x5] =	stream.linear.gather [hbm4b:s15+s13], $0x80, $0x38;
	[tilespmem:$0x1FD00] =	vst v63  }
0x7e: {  	_ =	swait.ge [sflag:s0], $0x80  }
0x7f: {  	[sflag:s0] =	ssyncset.done $0x0  }
0x80: {  	[sflag:s0] =	ssyncadd.s32 $0xFFFFFF80  }
0x81: {  	[tilespmem:s7], [sflag:$0x1] =	stream.indirect.gather [hbm4b:s1+s6], $0x80, s13, s6, $0xb8;
	[tilespmem:$0x1FD00] =	vst v63  }
0x82: {  	s16 =	rddreg [dreg:$0x6]  }
0x83: {  	[tilespmem:s6], [sflag:$0x4] =	stream.linear.gather [hbm4b:s16+s13], $0x80, $0x38;
	[tilespmem:$0x1FD00] =	vst v63  }
0x84: {  	_ =	swait.ge [sflag:s8], $0x80  }
0x85: {  	[sflag:s8] =	ssyncset.done $0x0  }
0x86: {  	[sflag:s8] =	ssyncadd.s32 $0xFFFFFF80  }
0x87: {  	[tilespmem:s5], [sflag:$0x2] =	stream.indirect.gather [hbm4b:s1+s6], $0x80, s6, s6, $0xb8;
	[tilespmem:$0x1FD00] =	vst v63  }
0x88: {  	_ =	swait.ge [sflag:s2], $0x4000  }
0x89: {  	[sflag:s2] =	ssyncset.done $0x0  }
0x8a: {  	s14 =	sadd.s32 $0x0, s23;
	[sflag:s2] =	ssyncadd.s32 $0xFFFFC000  }
0x8b: {  	[tilespmem:s4], [sflag:$0x3] =	stream.linear.gather [hbm4b:s14+s4], $0x80, $0x38;
	[tilespmem:$0x1FD00] =	vst v63  }
0x8c: {  	s15 =	simm.s32 $0x100  }
0x8d: {  	[spmem:s3] =	stream.indirect.scatter.add.f32 [tilespmem:s7], [sflag:$0x5], $0x80, s15, s6, $0xb8;
	[tilespmem:$0x1FD00] =	vst v63  }
0x8e: {  	_ =	swait.ge [sflag:s0], $0x4000  }
0x8f: {  	[sflag:s0] =	ssyncset.done $0x0  }
0x90: {  	[sflag:s0] =	ssyncadd.s32 $0xFFFFC000  }
0x91: {  	_ =	swait.ge [sflag:s10], $0x80  }
0x92: {  	[sflag:s10] =	ssyncset.done $0x0  }
0x93: {  	[sflag:s10] =	ssyncadd.s32 $0xFFFFFF80  }
0x94: {  	[tilespmem:s7], [sflag:$0x1] =	stream.indirect.gather [hbm4b:s1+s6], $0x80, s4, s6, $0xb8;
	[tilespmem:$0x1FD00] =	vst v63  }
0x95: {  	_ =	swait.ge [sflag:s11], $0x4000  }
0x96: {  	[sflag:s11] =	ssyncset.done $0x0  }
0x97: {  	s16 =	sadd.s32 $0x0, s22;
	[sflag:s11] =	ssyncadd.s32 $0xFFFFC000  }
0x98: {  	[tilespmem:s6], [sflag:$0x4] =	stream.linear.gather [hbm4b:s16+s4], $0x80, $0x38;
	[tilespmem:$0x1FD00] =	vst v63  }
0x99: {  	s13 =	simm.s32 $0x180  }
0x9a: {  	[spmem:s3] =	stream.indirect.scatter.add.f32 [tilespmem:s5], [sflag:$0x5], $0x80, s13, s6, $0xb8;
	[tilespmem:$0x1FD00] =	vst v63  }
0x9b: {  	_ =	swait.ge [sflag:s0], $0x4000  }
0x9c: {  	s14 =	simm.s32 $0x20;
	[sflag:s0] =	ssyncset.done $0x0  }
.LBB2_4:
0x9d: {  	p1 =	sne.s32 s14, $0x4C0;
	[sflag:s0] =	ssyncadd.s32 $0xFFFFC000;
	s13 =	sadd.s32 $0x100, s13  }
0x9e: {  	s15 =	smov.u32 s14;
	s14 =	sadd.s32 $0x20, s14  }
0x9f: {  	_ =	swait.ge [sflag:s8], $0x80  }
0xa0: {  	[sflag:s8] =	ssyncset.done $0x0  }
0xa1: {  	[sflag:s8] =	ssyncadd.s32 $0xFFFFFF80  }
0xa2: {  	[tilespmem:s5], [sflag:$0x2] =	stream.indirect.gather [hbm4b:s1+s6], $0x80, s6, s6, $0xb8;
	[tilespmem:$0x1FD00] =	vst v63  }
0xa3: {  	_ =	swait.ge [sflag:s2], $0x4000  }
0xa4: {  	[sflag:s2] =	ssyncset.done $0x0  }
0xa5: {  	s16 =	sadd.s32 s15, s23;
	[sflag:s2] =	ssyncadd.s32 $0xFFFFC000  }
0xa6: {  	[tilespmem:s4], [sflag:$0x3] =	stream.linear.gather [hbm4b:s16+s4], $0x80, $0x38;
	[tilespmem:$0x1FD00] =	vst v63  }
0xa7: {  	s16 =	sadd.s32 $0xFFFFFF80, s13  }
0xa8: {  	[spmem:s3] =	stream.indirect.scatter.add.f32 [tilespmem:s7], [sflag:$0x5], $0x80, s16, s6, $0xb8;
	[tilespmem:$0x1FD00] =	vst v63  }
0xa9: {  	_ =	swait.ge [sflag:s0], $0x4000  }
0xaa: {  	[sflag:s0] =	ssyncset.done $0x0  }
0xab: {  	[sflag:s0] =	ssyncadd.s32 $0xFFFFC000  }
0xac: {  	_ =	swait.ge [sflag:s10], $0x80  }
0xad: {  	[sflag:s10] =	ssyncset.done $0x0  }
0xae: {  	[sflag:s10] =	ssyncadd.s32 $0xFFFFFF80  }
0xaf: {  	[tilespmem:s7], [sflag:$0x1] =	stream.indirect.gather [hbm4b:s1+s6], $0x80, s4, s6, $0xb8;
	[tilespmem:$0x1FD00] =	vst v63  }
0xb0: {  	_ =	swait.ge [sflag:s11], $0x4000  }
0xb1: {  	[sflag:s11] =	ssyncset.done $0x0  }
0xb2: {  	s15 =	sadd.s32 s15, s22;
	[sflag:s11] =	ssyncadd.s32 $0xFFFFC000  }
0xb3: {  	[tilespmem:s6], [sflag:$0x4] =	stream.linear.gather [hbm4b:s15+s4], $0x80, $0x38;
	[tilespmem:$0x1FD00] =	vst v63  }
.Ltmp1:
0xb4: {  	_ = 	snop;
	(pc) =	sbr.rel @p1 .LBB2_4-.Ltmp1, $4  }
0xb5: {  	_ = 	snop  }
0xb6: {  	[spmem:s3] =	stream.indirect.scatter.add.f32 [tilespmem:s5], [sflag:$0x5], $0x80, s13, s6, $0xb8;
	[tilespmem:$0x1FD00] =	vst v63  }
0xb7: {  	_ =	swait.ge [sflag:s0], $0x4000  }
0xb8: {  	[sflag:s0] =	ssyncset.done $0x0  }
0xb9: {  	[sflag:s0] =	ssyncadd.s32 $0xFFFFC000  }
0xba: {  	_ =	swait.ge [sflag:s8], $0x80  }
0xbb: {  	[sflag:s8] =	ssyncset.done $0x0  }
0xbc: {  	[sflag:s8] =	ssyncadd.s32 $0xFFFFFF80  }
0xbd: {  	[tilespmem:s5], [sflag:$0x2] =	stream.indirect.gather [hbm4b:s1+s6], $0x80, s6, s6, $0xb8;
	[tilespmem:$0x1FD00] =	vst v63  }
0xbe: {  	_ =	swait.ge [sflag:s2], $0x4000  }
0xbf: {  	[sflag:s2] =	ssyncset.done $0x0  }
0xc0: {  	s13 =	simm.s32 $0x2800;
	[sflag:s2] =	ssyncadd.s32 $0xFFFFC000  }
0xc1: {  	[spmem:s3] =	stream.indirect.scatter.add.f32 [tilespmem:s7], [sflag:$0x5], $0x80, s13, s6, $0xb8;
	[tilespmem:$0x1FD00] =	vst v63  }
0xc2: {  	_ =	swait.ge [sflag:s0], $0x4000  }
0xc3: {  	[sflag:s0] =	ssyncset.done $0x0  }
0xc4: {  	[sflag:s0] =	ssyncadd.s32 $0xFFFFC000  }
0xc5: {  	_ =	swait.ge [sflag:s11], $0x4000  }
0xc6: {  	[sflag:s11] =	ssyncset.done $0x0  }
0xc7: {  	s15 =	simm.s32 $0x2880;
	[sflag:s11] =	ssyncadd.s32 $0xFFFFC000  }
0xc8: {  	[spmem:s3] =	stream.indirect.scatter.add.f32 [tilespmem:s5], [sflag:$0x5], $0x80, s15, s6, $0xb8;
	[tilespmem:$0x1FD00] =	vst v63  }
0xc9: {  	_ =	swait.ge [sflag:s0], $0x4000  }
0xca: {  	[sflag:s0] =	ssyncset.done $0x0  }
0xcb: {  	[sflag:s0] =	ssyncadd.s32 $0xFFFFC000  }
0xcc: {  	[bflag:$0x0] =	sbarrier.arrive $0xFFFF  }
0xcd: {  	s13 =	simm.s32 @p0 $0x1FC5;
	s14 =	rddreg [dreg:$0x8]  }
0xce: {  	[hbm:s14], [sflag:s13] =	dma.local @p0 [spmem:s25], $0x1900  }
0xcf: {  	s13 =	simm.s32 @p0 $0x5  }
0xd0: {  	s14 =	stileid.u32;
	_ =	swait.ge @p0 [sflag:s13], $0x1900  }
0xd1: {  	s14 =	sshll.u32 @!p0 s14, $0x6;
	[sflag:s13] =	ssyncset.done @p0 $0x0;
	s15 =	rddreg [dreg:$0x7]  }
0xd2: {  	[sflag:s13] =	ssyncadd.s32 @p0 $0xFFFFE700;
	s13 =	sor.u32 @!p0 $0x1C05, s14;
	s14 =	sshrl.u32 @!p0 s9, $0x3  }
0xd3: {  	[hbm:s15], [sflag:s13] =	dma.local @!p0 [spmem:s14], $0x2800  }
0xd4: {  	s13 =	simm.s32 @!p0 $0x5  }
0xd5: {  	_ =	swait.ge @!p0 [sflag:s13], $0x2800  }
0xd6: {  	s12 =	sadd.s32 $0x1, s12;
	s16 =	rddreg [dreg:$0x9]  }
0xd7: {  	p1 =	sne.s32 s12, s16  }
.Ltmp2:
0xd8: {  	_ = 	snop;
	(pc) =	sbr.rel @p1 .LBB2_1-.Ltmp2, $3  }
0xd9: {  	_ =	sdelay $0x1  }
0xda: {  	[sflag:s13] =	ssyncset.done @!p0 $0x0  }
0xdb: {  	[sflag:s13] =	ssyncadd.s32 @!p0 $0xFFFFD800  }
0xdc: {  	_ =	sfence.sel $0x180000  }
0xdd: {  	[bflag:$0x0] =	sbarrier.arrive $0xFFFF  }
0xde: {  	_ =	strace $0x9000004D  }
0xdf: {  	s0 =	stileid.u32;
	[bflag:$0x2] =	sbarrier.arrive $0xFFFF  }
0xe0: {  	p0 =	sne.s32 s0, $0x0;
	s0 =	rddreg [dreg:$0x3]  }
0xe1: {  	s0 =	sadd.s32 @!p0 $0x100000, s0  }
0xe2: {  	[sflag:s0] =	ssyncadd.tile.s32 @!p0 $0x1;
	_ =	shalt  }
.Lfunc_end2:
_tile_overlayer_lowered:
.L_overlay_start_2:
0xe3: {  	(tag) =	ssettag $0x2  }
0xe4: {  	s0 =	rddreg [dreg:$0x0];
	s2 =	stileid.u32  }
0xe5: {  	s1 =	rddreg [dreg:$0x1];
	p0 =	sne.s32 s2, $0x0  }
0xe6: {  	s3 =	rddreg [dreg:$0x2];
	[bflag:$0x3] =	sbarrier.arrive $0xFFFF;
	s2 =	simm.s32 @!p0 $0x1C05  }
0xe7: {  	[timem:s3], [sflag:s2] =	dma.local @!p0 [hbm:s0], s1  }
0xe8: {  	s0 =	simm.s32 @!p0 $0x5  }
0xe9: {  	_ =	swait.ge @!p0 [sflag:s0], s1  }
0xea: {  	s1 =	ssub.s32 @!p0 $0x0, s1;
	[sflag:s0] =	ssyncset.done @!p0 $0x0  }
0xeb: {  	[sflag:s0] =	ssyncadd.s32 @!p0 s1  }
0xec: {  	[bflag:$0x3] =	sbarrier.arrive $0xFFFF  }
0xed: {  	_ =	shalt  }

// kernel: kernel.8.cloned.1.call-start
scs
__scs_entry_jumppad:
0x0: {  	(pc) =	sbr.rel $0x88, $3  }
0x1: {  	(tag) =	ssettag $0x0;
	lr =	simm.s32 $0x1  }
0x2: {  	[smem:$0x3F9B] =	sst lr;
	_ =	strace $0xD0000000  }
0x3: {  	_ = 	snop  }
0x4: {  	_ = 	snop  }
0x5: {  	_ = 	snop  }
0x6: {  	_ = 	snop  }
0x7: {  	_ = 	snop  }
__scs_overlays_trampoline_lowered:
0x8: {  	[smem:$0x3FAA] =	sst s0  }
0x9: {  	[smem:$0x3FAB] =	sst s1  }
0xa: {  	[smem:$0x3FAC] =	sst s2  }
0xb: {  	[smem:$0x3FAD] =	sst s3  }
0xc: {  	[smem:$0x3FAE] =	sst s4  }
0xd: {  	[smem:$0x3FAF] =	sst s5  }
0xe: {  	[smem:$0x3FB0] =	sst s6  }
0xf: {  	[smem:$0x3FB1] =	sst s7  }
0x10: {  	[smem:$0x3FB2] =	sst s8  }
0x11: {  	[smem:$0x3FB3] =	sst s9;
	s0 =	simm.s32 @!p0 $0x0  }
0x12: {  	s1 =	sld [smem:$0x3F99];
	s0 =	simm.s32 @p0 $0x1  }
0x13: {  	[smem:$0x3FB4] =	sst s0;
	s0 =	simm.s32 @!p1 $0x0  }
0x14: {  	s2 =	sld [smem:$0x3F98];
	s0 =	simm.s32 @p1 $0x1  }
0x15: {  	[smem:$0x3FB5] =	sst s0;
	s0 =	simm.s32 @!p2 $0x0  }
0x16: {  	s3 =	sld [smem:$0x3FDB];
	s0 =	simm.s32 @p2 $0x1  }
0x17: {  	s4 =	simm.s32 $0x1BF5;
	[smem:$0x3FB7] =	sst s0  }
0x18: {  	s0 =	sld [smem:$0x3F9A];
	_ =	swait.ge [sflag:s4], $0x0  }
0x19: {  	s7 =	sld [smem:$0x3F9B]  }
0x1a: {  	s8 =	sadd.s32 $0xFFFFE003, lr  }
0x1b: {  	s9 =	sadd.s32 $0xFFFFFEF7, lr;
	s5 =	simm.s32 $0xFFFFFFFF;
	p2 =	slt.u32 s8, $0xFFFFF086  }
0x1c: {  	p1 =	slt.u32 s9, $0xF7A;
	s5 =	simm.s32 @!p2 $0x0  }
0x1d: {  	s5 =	simm.s32 @p1 $0x1;
	p0 =	seq.s32 s7, s2  }
0x1e: {  	s7 =	smul.u32 @!p0 $0xF7A, s2;
	p2 =	seq.s32 @!p0 s5, $0x0  }
0x1f: {  	s9 =	smul.u32 $0xF7A, s1;
	s8 =	simm.s32 @!p0 $0x1BF5;
	p2 =	por !p2, p0  }
0x20: {  	[sflag:s8] =	ssyncset.s32 @!p0 $0xFFFFF086;
	s6 =	sadd.s32 @!p0 s3, s7;
	s7 =	simm.s32 @!p0 $0x108  }
0x21: {  	s3 =	sadd.s32 s3, s9;
	s6 =	sadd.s32 @!p0 $0x88, s6;
	s7 =	simm.s32 @p2 $0x1082  }
0x22: {  	[simem:s7], [sflag:s8] =	dma.local @!p0 [hbm:s6], $0xF7A  }
0x23: {  	s9 =	sor.u32 $0xD0000000, s2;
	s6 =	simm.s32 $0x108;
	_ =	swait.ge @!p0 [sflag:s8], $0x0  }
0x24: {  	s3 =	sadd.s32 $0x88, s3;
	s6 =	simm.s32 @!p1 $0x1082;
	[sflag:s4] =	ssyncset.s32 $0xFFFFF086  }
0x25: {  	[simem:s6], [sflag:s4] =	dma.local [hbm:s3], $0xF7A  }
0x26: {  	[smem:$0x3F9B] =	sst s1;
	(tag) =	ssettag s2;
	_ =	strace s9  }
0x27: {  	s1 =	sld [smem:$0x3FAB]  }
0x28: {  	s2 =	sld [smem:$0x3FAC]  }
0x29: {  	s4 =	sld [smem:$0x3FAE]  }
0x2a: {  	p0 =	seq.s32 s5, $0x0;
	s5 =	sld [smem:$0x3FAF]  }
0x2b: {  	s6 =	sld [smem:$0x3FB0]  }
0x2c: {  	s7 =	sld [smem:$0x3FB1]  }
0x2d: {  	s3 =	simm.s32 $0x108;
	s8 =	sld [smem:$0x3FB2]  }
0x2e: {  	s3 =	simm.s32 @!p0 $0x1082;
	s9 =	sld [smem:$0x3FB3]  }
0x2f: {  	lr =	sadd.s32 s0, s3;
	s0 =	sld [smem:$0x3FAA]  }
0x30: {  	s3 =	sld [smem:$0x3FAD]  }
0x31: {  	[smem:$0x3FB6] =	sst s10  }
0x32: {  	s10 =	sld [smem:$0x3FB4];
	_ =	sdelay $0x3  }
0x33: {  	p0 =	seq.s32 s10, $0x1;
	s10 =	sld [smem:$0x3FB6];
	_ =	sdelay $0x3  }
0x34: {  	[smem:$0x3FB6] =	sst s10  }
0x35: {  	s10 =	sld [smem:$0x3FB5];
	_ =	sdelay $0x3  }
0x36: {  	p1 =	seq.s32 s10, $0x1;
	s10 =	sld [smem:$0x3FB6];
	_ =	sdelay $0x3  }
0x37: {  	[smem:$0x3FB6] =	sst s10  }
0x38: {  	s10 =	sld [smem:$0x3FB7]  }
0x39: {  	_ = 	snop;
	(pc) =	sbr.ind lr, $3  }
0x3a: {  	_ = 	snop  }
0x3b: {  	_ = 	snop  }
0x3c: {  	p2 =	seq.s32 s10, $0x1;
	s10 =	sld [smem:$0x3FB6]  }
0x3d: {  	_ =	shalt  }
0x3e: {  	_ =	shalt  }
0x3f: {  	_ =	shalt  }
0x40: {  	_ =	shalt  }
0x41: {  	_ =	shalt  }
0x42: {  	_ =	shalt  }
0x43: {  	_ =	shalt  }
0x44: {  	_ =	shalt  }
0x45: {  	_ =	shalt  }
0x46: {  	_ =	shalt  }
0x47: {  	_ =	shalt  }
0x48: {  	_ =	shalt  }
0x49: {  	_ =	shalt  }
0x4a: {  	_ =	shalt  }
0x4b: {  	_ =	shalt  }
0x4c: {  	_ =	shalt  }
0x4d: {  	_ =	shalt  }
0x4e: {  	_ =	shalt  }
0x4f: {  	_ =	shalt  }
0x50: {  	_ =	shalt  }
0x51: {  	_ =	shalt  }
0x52: {  	_ =	shalt  }
0x53: {  	_ =	shalt  }
0x54: {  	_ =	shalt  }
0x55: {  	_ =	shalt  }
0x56: {  	_ =	shalt  }
0x57: {  	_ =	shalt  }
0x58: {  	_ =	shalt  }
0x59: {  	_ =	shalt  }
0x5a: {  	_ =	shalt  }
0x5b: {  	_ =	shalt  }
0x5c: {  	_ =	shalt  }
0x5d: {  	_ =	shalt  }
0x5e: {  	_ =	shalt  }
0x5f: {  	_ =	shalt  }
0x60: {  	_ =	shalt  }
0x61: {  	_ =	shalt  }
0x62: {  	_ =	shalt  }
0x63: {  	_ =	shalt  }
0x64: {  	_ =	shalt  }
0x65: {  	_ =	shalt  }
0x66: {  	_ =	shalt  }
0x67: {  	_ =	shalt  }
0x68: {  	_ =	shalt  }
0x69: {  	_ =	shalt  }
0x6a: {  	_ =	shalt  }
0x6b: {  	_ =	shalt  }
0x6c: {  	_ =	shalt  }
0x6d: {  	_ =	shalt  }
0x6e: {  	_ =	shalt  }
0x6f: {  	_ =	shalt  }
0x70: {  	_ =	shalt  }
0x71: {  	_ =	shalt  }
0x72: {  	_ =	shalt  }
0x73: {  	_ =	shalt  }
0x74: {  	_ =	shalt  }
0x75: {  	_ =	shalt  }
0x76: {  	_ =	shalt  }
0x77: {  	_ =	shalt  }
0x78: {  	_ =	shalt  }
0x79: {  	_ =	shalt  }
0x7a: {  	_ =	shalt  }
0x7b: {  	_ =	shalt  }
0x7c: {  	_ =	shalt  }
0x7d: {  	_ =	shalt  }
0x7e: {  	_ =	shalt  }
0x7f: {  	_ =	shalt  }
0x80: {  	_ =	shalt  }
0x81: {  	_ =	shalt  }
0x82: {  	_ =	shalt  }
0x83: {  	_ =	shalt  }
0x84: {  	_ =	shalt  }
0x85: {  	_ =	shalt  }
0x86: {  	_ =	shalt  }
0x87: {  	_ =	shalt  }
.Lfunc_end0:
.L_simem_size_0:
called_computation_lowered:
.L_overlay_start_0:
0x88: {  	s2 =	sld [smem:$0x3FD9]  }
0x89: {  	s3 =	sld [smem:$0x3FFE];
	_ =	sdelay $0x1  }
0x8a: {  	s1 =	srdreg.scid  }
0x8b: {  	s0 =	sand.u32 $0x1, s1  }
0x8c: {  	s17 =	sshll.u32 s0, $0xA;
	s2 =	sadd.s32 s3, s2  }
0x8d: {  	s2 =	sadd.s32 s2, s17  }
0x8e: {  	[smem:$0x3FC2] =	sst s2  }
0x8f: {  	_ = 	snop  }
0x90: {  	s2 =	sld [smem:$0x3FD0];
	(tm) =	ssettm $0x1  }
0x91: {  	s18 =	sld [smem:$0x3FFB];
	_ =	sdelay $0x3  }
0x92: {  	_ =	strace s18  }
0x93: {  	s3 =	sld [smem:$0x3FFC];
	_ =	sdelay $0x3  }
0x94: {  	_ =	strace s3  }
0x95: {  	s3 =	sld [smem:$0x3FFD];
	_ =	sdelay $0x3  }
0x96: {  	_ =	strace s3  }
0x97: {  	_ =	strace $0x8FFFFFFF  }
0x98: {  	s19 =	sld [smem:$0x3FDB];
	_ =	sdelay $0x1  }
0x99: {  	s4 =	simm.s32 $_scs_section_size  }
0x9a: {  	s5 =	simm.s32 $_size__tile_overlayer_lowered;
	s6 =	simm.s32 $_tile_overlayer_lowered  }
0x9b: {  	s22 =	simm.s32 $0x1BFF;
	s21 =	sshll.u32 s6, $0x1;
	s3 =	sadd.s32 s4, s19  }
0x9c: {  	s7 =	simm.s32 $0x0;
	s20 =	sshll.u32 s5, $0x1;
	s5 =	sadd.s32 s21, s3  }
0x9d: {  	[timem:s7], [sflag:s22] =	dma.local [hbm:s5], s20  }
0x9e: {  	_ =	swait.ge [sflag:s22], s20  }
0x9f: {  	s4 =	ssub.s32 $0x0, s20;
	[sflag:s22] =	ssyncset.done $0x0  }
0xa0: {  	[sflag:s22] =	ssyncadd.s32 s4;
	_ =	sdelay $0x1  }
0xa1: {  	s23 =	simm.s32 $0x1B8B  }
0xa2: {  	_ =	swait.ge [sflag:s23], $0x1  }
0xa3: {  	[sflag:s23] =	ssyncset.done $0x0  }
0xa4: {  	s25 =	simm.s32 $0x1B8E;
	s24 =	sld [smem:$0x3FFE];
	[sflag:s23] =	ssyncadd.s32 $0xFFFFFFFF  }
0xa5: {  	s26 =	simm.s32 $execute0_lowered;
	[smem:$0x3FD2] =	sst s25  }
0xa6: {  	s5 =	sshll.u32 s26, $0x1;
	_ =	strace $0x80000046;
	[dreg:$0x1] =	wrdreg $0xFFFFFFFF  }
0xa7: {  	s28 =	simm.s32 $_size_execute0_lowered;
	s3 =	sadd.s32 s3, s5;
	[dreg:$0x0] =	wrdreg $0x0  }
0xa8: {  	s5 =	sshll.u32 s28, $0x1;
	[dreg:$0x2] =	wrdreg s3  }
0xa9: {  	[dreg:$0x3] =	wrdreg s5  }
0xaa: {  	[dreg:$0x4] =	wrdreg $0xC0  }
0xab: {  	_ =	task [dreg:s7], $0x5FFFF  }
0xac: {  	[dreg:$0x1] =	wrdreg $0xFFFFFFFF  }
0xad: {  	[dreg:$0x0] =	wrdreg $0x60  }
0xae: {  	[dreg:$0x2] =	wrdreg s2  }
0xaf: {  	[dreg:$0x3] =	wrdreg s24  }
0xb0: {  	[dreg:$0x4] =	wrdreg $0x9  }
0xb1: {  	_ =	task.clear_ibuf [dreg:s7], $0x5FFFF;
	_ =	strace $0x90000046  }
0xb2: {  	s29 =	simm.s32 $0x9;
	_ =	strace $0x80000048  }
0xb3: {  	_ =	swait.ge [sflag:s29], $0x1  }
0xb4: {  	[sflag:s29] =	ssyncadd.s32 $0xFFFFFFFF  }
0xb5: {  	_ =	strace $0x90000048  }
0xb6: {  	_ =	sfence  }
0xb7: {  	s30 =	sld [smem:$0x0];
	_ =	sdelay $0x2  }
0xb8: {  	s31 =	sshll.u32 s1, $0xD;
	s1 =	sshrl.u32 s1, $0x2  }
0xb9: {  	s3 =	sand.u32 $0x4000, s31;
	s1 =	sadd.s32 s1, s30  }
0xba: {  	s0 =	sor.u32 s3, s0;
	s1 =	sshll.u32 s1, $0x11  }
0xbb: {  	s0 =	sor.u32 s1, s0  }
0xbc: {  	s0 =	sadd.s32 $0x8F2B, s0  }
0xbd: {  	[sflag:s0] =	ssyncadd.remote.s32 $0x1  }
0xbe: {  	_ =	sfence.sel $0xFFFF  }
0xbf: {  	[dreg:$0x0] =	wrdreg $0xFFFFFFFF;
	(pc) =	sbr.abs _section_cstart, $3  }
0xc0: {  	[dreg:$0x1] =	wrdreg $0xFFFFFFFF  }
0xc1: {  	_ =	task.clear_ibuf [dreg:s7], $0x2FFFF;
	_ =	strace $0x9FFFFFFF  }
0xc2: {  	(tm) =	ssettm $0x7FFFFFFF  }
0xc3: {  	_ =	shalt  }
tec
execute0_lowered:
.L_overlay_start_1:
0x0: {  	(tag) =	ssettag $0x1  }
0x1: {  	s3 =	rddreg [dreg:$0x0];
	s0 =	srdreg.scid  }
0x2: {  	s4 =	rddreg [dreg:$0x1];
	s1 =	stileid.u32  }
0x3: {  	s5 =	sand.u32 $0x1, s0;
	s0 =	rddreg [dreg:$0x2];
	s7 =	sshrl.u32 s1, $0x3  }
0x4: {  	s9 =	sshll.u32 s1, $0x7;
	s2 =	sshll.u32 s5, $0x4;
	s6 =	smul.u32 $0x28000, s5  }
0x5: {  	s7 =	smul.u32 $0x14000, s7;
	s9 =	sand.u32 $0x380, s9;
	s5 =	ssub.s32 $0x2, s5  }
0x6: {  	s8 =	sor.u32 s1, s2;
	s2 =	simm.s32 $0x0;
	s31 =	sshrl.u32 s5, $0x1  }
0x7: {  	s8 =	sshrl.u32 s8, $0x3;
	[smem:$0x7FF] =	sst s2;
	s6 =	sadd.s32 s6, s7  }
0x8: {  	s5 =	ssub.s32 s5, s31;
	s8 =	smul.u32 $0x14000, s8;
	s6 =	sor.u32 s9, s6  }
0x9: {  	_ =	strace $0x80000047;
	s5 =	smax.u32 s5, $0x1;
	s6 =	sshrl.u32 s6, $0x3  }
0xa: {  	s30 =	sor.u32 s9, s8;
	s4 =	sadd.s32 s6, s4;
	s6 =	simm.s32 $0x80  }
0xb: {  	s8 =	simm.s32 $0x1;
	s9 =	simm.s32 $0x2800;
	s7 =	sshrl.u32 s30, $0x3  }
0xc: {  	v0 =	vimm.f32 $0.0e+00;
	v1 =	vimm.f32 $1.000000000e+00;
	s4 =	sadd.s32 $0x16000, s4;
	s3 =	sadd.s32 s3, s7;
	s7 =	simm.s32 $0x400  }
.LBB2_1:
0xd: {  	s10 =	simm.s32 $0x40;
	s11 =	simm.s32 $0x0  }
.LBB2_2:
0xe: {  	p0 =	sne.s32 s10, $0x9FC0;
	[tilespmem:s11+$0x2800] =	vst v0;
	s11 =	smov.u32 s10;
	s10 =	sadd.s32 $0x40, s10  }
.Ltmp0:
0xf: {  	(pc) =	sbr.rel @p0 .LBB2_2-.Ltmp0, $2  }
0x10: {  	_ =	sdelay $0x2  }
0x11: {  	s11 =	sshra.s32 s11, $0x2  }
0x12: {  	[tilespmem:s11+$0x2800] =	vst v0;
	s10 =	simm.s32 $0x0  }
0x13: {  	[tilespmem:s10], [sflag:$0x1] =	stream.strided.gather [hbm4b:s3+s6], $0x2800, s7, s6, $0x38;
	[tilespmem:$0x5000] =	vst v63  }
0x14: {  	_ =	swait.ge [sflag:s8], $0x2800  }
0x15: {  	[sflag:s8] =	ssyncset.done $0x0  }
0x16: {  	s11 =	simm.s32 $0x0;
	s10 =	simm.s32 $0x40;
	[sflag:s8] =	ssyncadd.s32 $0xFFFFD800  }
.LBB2_4:
0x17: {  	p0 =	sne.s32 s10, $0x9FC0;
	v2 =	vld [tilespmem:s11+$0x0];
	_ =	sdelay $0x3  }
.Ltmp1:
0x18: {  	(pc) =	sbr.rel @p0 .LBB2_4-.Ltmp1, $2  }
0x19: {  	_ =	sdelay $0x2  }
0x1a: {  	s11 =	sshra.s32 s10, $0x2;
	s10 =	sadd.s32 $0x40, s10;
	[tilespmem:v2+s9+$0x0] =	vst.idx.add.f32.msk $0xffff, v1  }
0x1b: {  	v2 =	vld [tilespmem:s11+$0x0];
	_ =	sdelay $0x5  }
0x1c: {  	s2 =	sadd.s32 $0x1, s2  }
0x1d: {  	p0 =	sne.s32 s2, s5  }
.Ltmp2:
0x1e: {  	[tilespmem:v2+s9+$0x0] =	vst.idx.add.f32.msk $0xffff, v1;
	(pc) =	sbr.rel @p0 .LBB2_1-.Ltmp2, $4  }
0x1f: {  	[hbm4b:s4+s6] =	stream.strided.scatter [tilespmem:s9], [sflag:$0x1], $0x2800, s7, s6, $0x38;
	[tilespmem:$0x5000] =	vst v63  }
0x20: {  	_ =	swait.ge [sflag:s8], $0x2800  }
0x21: {  	[sflag:s8] =	ssyncset.done $0x0  }
0x22: {  	[sflag:s8] =	ssyncadd.s32 $0xFFFFD800  }
0x23: {  	_ =	sfence.sel $0x180000  }
0x24: {  	[bflag:$0x0] =	sbarrier.arrive $0xFFFF  }
0x25: {  	p0 =	sne.s32 s1, $0x0;
	_ =	strace $0x90000047  }
0x26: {  	s0 =	sadd.s32 @!p0 $0x100000, s0;
	[bflag:$0x2] =	sbarrier.arrive $0xFFFF  }
0x27: {  	[sflag:s0] =	ssyncadd.tile.s32 @!p0 $0x1;
	_ =	shalt  }
.Lfunc_end2:
_tile_overlayer_lowered:
.L_overlay_start_2:
0x28: {  	(tag) =	ssettag $0x2  }
0x29: {  	s0 =	rddreg [dreg:$0x0];
	s2 =	stileid.u32  }
0x2a: {  	s1 =	rddreg [dreg:$0x1];
	p0 =	sne.s32 s2, $0x0  }
0x2b: {  	s3 =	rddreg [dreg:$0x2];
	[bflag:$0x3] =	sbarrier.arrive $0xFFFF;
	s2 =	simm.s32 @!p0 $0x1C01  }
0x2c: {  	[timem:s3], [sflag:s2] =	dma.local @!p0 [hbm:s0], s1  }
0x2d: {  	s0 =	simm.s32 @!p0 $0x1  }
0x2e: {  	_ =	swait.ge @!p0 [sflag:s0], s1  }
0x2f: {  	s1 =	ssub.s32 @!p0 $0x0, s1;
	[sflag:s0] =	ssyncset.done @!p0 $0x0  }
0x30: {  	[sflag:s0] =	ssyncadd.s32 @!p0 s1  }
0x31: {  	[bflag:$0x3] =	sbarrier.arrive $0xFFFF  }
0x32: {  	_ =	shalt  }

</sc_bundles>
